<compile_context>
chip_gen: v7x
topology: tpu7x:2x2x1
jax: 0.10.2.dev20260603
libtpu: 0.0.44.dev20260713+nightly
codegen_flags: <defaults>
</compile_context>

<pallas_src>
import functools

import jax
import jax.numpy as jnp
from jax import lax
from jax.experimental import pallas as pl
from jax.experimental.pallas import tpu as pltpu
from jax.experimental.pallas import tpu_sc as plsc

NUM_CORES = 2
NUM_SUBCORES = 16
NW = NUM_CORES * NUM_SUBCORES

BATCH = 16384
HIST = 50
HISTP = 128
DIM = 64
TOTAL = BATCH * HIST
PER_W = TOTAL // NW
B_PER_W = BATCH // NW
HISTA = 56
BCHUNK = 8
CHUNK = BCHUNK * HIST
CHUNKA = BCHUNK * HISTA
NCHUNK = B_PER_W // BCHUNK
NBUF = 2
NOUT = NCHUNK // NBUF

_mesh = plsc.VectorSubcoreMesh(
    core_axis_name="c", subcore_axis_name="s",
    num_cores=NUM_CORES, num_subcores=NUM_SUBCORES,
)


@functools.partial(
    pl.kernel,
    out_type=jax.ShapeDtypeStruct((NW, NCHUNK, CHUNK, DIM), jnp.float32),
    mesh=_mesh,
    scratch_types=[
        pltpu.VMEM((B_PER_W, HISTP), jnp.int32),
        *[pltpu.VMEM((CHUNKA, DIM), jnp.float32) for _ in range(NBUF)],
        *[pltpu.SemaphoreType.DMA for _ in range(NBUF)],
        *[pltpu.SemaphoreType.DMA for _ in range(NBUF)],
    ],
    compiler_params=pltpu.CompilerParams(use_tc_tiling_on_sc=False),
)
def _gather_sc(idx_hbm, table_hbm, out_hbm, idx_v, *scratch):
    bufs = scratch[:NBUF]
    gsem = scratch[NBUF:2 * NBUF]
    osem = scratch[2 * NBUF:]

    wid = lax.axis_index("s") * NUM_CORES + lax.axis_index("c")
    pltpu.sync_copy(idx_hbm.at[pl.ds(wid * B_PER_W, B_PER_W)], idx_v)

    def fire_gather(j, buf, sem):
        for k in range(BCHUNK):
            pltpu.async_copy(
                table_hbm.at[idx_v.at[j * BCHUNK + k, pl.ds(0, HISTA)]],
                buf.at[pl.ds(k * HISTA, HISTA)], sem)

    def wait_gather(buf, sem):
        for k in range(BCHUNK):
            pltpu.make_async_copy(
                table_hbm.at[pl.ds(0, HISTA)],
                buf.at[pl.ds(0, HISTA)], sem).wait()

    def fire_writeback(j, buf, sem):
        for k in range(BCHUNK):
            pltpu.async_copy(
                buf.at[pl.ds(k * HISTA, HIST)],
                out_hbm.at[wid, j, pl.ds(k * HIST, HIST)], sem)

    def wait_writeback(buf, sem):
        for k in range(BCHUNK):
            pltpu.make_async_copy(
                buf.at[pl.ds(0, HIST)],
                out_hbm.at[wid, 0, pl.ds(0, HIST)], sem).wait()

    for b in range(NBUF):
        fire_gather(b, bufs[b], gsem[b])

    def body(t, carry):
        j0 = t * NBUF
        for b in range(NBUF):
            j = j0 + b
            wait_gather(bufs[b], gsem[b])
            fire_writeback(j, bufs[b], osem[b])

            @pl.when(j + NBUF < NCHUNK)
            def _():
                wait_writeback(bufs[b], osem[b])
                fire_gather(j + NBUF, bufs[b], gsem[b])
        return carry

    lax.fori_loop(0, NOUT, body, 0)
    for b in range(NBUF):
        wait_writeback(bufs[b], osem[b])


def kernel(input_ids, weight):
    idx = jnp.pad(input_ids.astype(jnp.int32), ((0, 0), (0, HISTP - HIST)))
    out = _gather_sc(idx, weight)
    return out.reshape(BATCH, HIST, DIM)

# --- scband reference (transcript-rebuilt; emitter-appended) ---
"""Pipeline reference for scband-tensor-parallel-embedding-47158740910681 (READ-ONLY COPY).

The authoritative reference and input builder live on the scoring server;
editing this copy changes nothing except your own understanding.
"""

import jax, jax.numpy as jnp
import numpy as np

NUM_EMBEDDINGS = 1000000
EMBEDDING_DIM = 64  # tp_world_size=1 => embedding_dim_per_partition == embedding_dim
BATCH = 16384
HIST = 50

def setup_inputs(seed: int = 0) -> dict:
    key = jax.random.key(seed)
    k1, k2 = jax.random.split(key)
    input_ids = jax.random.randint(k1, (BATCH, HIST), 0, NUM_EMBEDDINGS, dtype=jnp.int64 if jax.config.jax_enable_x64 else jnp.int32)
    weight = jax.random.normal(k2, (NUM_EMBEDDINGS, EMBEDDING_DIM), dtype=jnp.float32) * 0.02
    return {"input_ids": input_ids, "weight": weight}

def reference(input_ids, weight):
    # nn.functional.embedding(input_ids, self.weight) == gather rows
    embeddings_parallel = jnp.take(weight, input_ids, axis=0)
    # lossy_network is None; dist world size 1 => all_gather + cat is identity
    embeddings = embeddings_parallel
    return embeddings

if __name__ == "__main__":
    import jax
    _d = setup_inputs()
    print(jax.jit(kernel)(*tuple(_d.values())))

</pallas_src>

<mosaic_0001>
#map = affine_map<(d0, d1) -> (0, 0)>
#map1 = affine_map<(d0, d1) -> (0, 0, 0, 0)>
module attributes {stable_mosaic.version = 14 : i64} {
  func.func @_gather_sc(%arg0: i32, %arg1: i32, %arg2: memref<16384x128xi32, #tpu.memory_space<hbm>>, %arg3: memref<1000000x64xf32, #tpu.memory_space<hbm>>, %arg4: memref<32x64x400x64xf32, #tpu.memory_space<hbm>>, %arg5: memref<512x128xi32, #tpu.memory_space<vmem>>, %arg6: memref<448x64xf32, #tpu.memory_space<vmem>>, %arg7: memref<448x64xf32, #tpu.memory_space<vmem>>, %arg8: memref<!tpu.dma_semaphore, #tpu.memory_space<semaphore_mem>>, %arg9: memref<!tpu.dma_semaphore, #tpu.memory_space<semaphore_mem>>, %arg10: memref<!tpu.dma_semaphore, #tpu.memory_space<semaphore_mem>>, %arg11: memref<!tpu.dma_semaphore, #tpu.memory_space<semaphore_mem>>) attributes {dimension_semantics = [#tpu.dimension_semantics<core_parallel>, #tpu.dimension_semantics<subcore_parallel>], iteration_bounds = array<i64: 2, 16>, scalar_prefetch = 0 : i64, scratch_operands = 7 : i64, tpu.core_type = #tpu.core_type<sc_vector_subcore>, window_params = [{transform_indices = #map}, {transform_indices = #map}, {transform_indices = #map1}]} {
    %mul3A = arith.constant 2 : i32
    %mul3A_0 = arith.muli %arg1, %mul3A : i32
    %add3A = arith.addi %mul3A_0, %arg0 : i32
    %mul3A_1 = arith.constant 512 : i32
    %mul3A_2 = arith.muli %add3A, %mul3A_1 : i32
    "tpu.region"() ({
      %run_scoped3A = tpu.sem_alloc : memref<!tpu.dma_semaphore, #tpu.memory_space<semaphore_mem>>
      %dma_start3A_406 = arith.constant 0 : i32
      %dma_start3A_407 = tpu.memref_slice %arg2[%mul3A_2, %dma_start3A_406] : memref<16384x128xi32, #tpu.memory_space<hbm>> -> memref<512x128xi32, #tpu.memory_space<hbm>>
      %dma_start3A_408 = arith.constant 0 : i32
      %dma_start3A_409 = tpu.memref_slice %arg2[%mul3A_2, %dma_start3A_408] : memref<16384x128xi32, #tpu.memory_space<hbm>> -> memref<512x128xi32, #tpu.memory_space<hbm>>
      tpu.enqueue_dma source(%dma_start3A_409 : memref<512x128xi32, #tpu.memory_space<hbm>>) target(%arg5 : memref<512x128xi32, #tpu.memory_space<vmem>>) target_semaphore(%run_scoped3A : memref<!tpu.dma_semaphore, #tpu.memory_space<semaphore_mem>>)
      %dma_wait3A_410 = arith.constant 0 : i32
      %dma_wait3A_411 = tpu.memref_slice %arg2[%mul3A_2, %dma_wait3A_410] : memref<16384x128xi32, #tpu.memory_space<hbm>> -> memref<512x128xi32, #tpu.memory_space<hbm>>
      %dma_wait3A_412 = arith.constant 0 : i32
      %dma_wait3A_413 = tpu.memref_slice %arg2[%mul3A_2, %dma_wait3A_412] : memref<16384x128xi32, #tpu.memory_space<hbm>> -> memref<512x128xi32, #tpu.memory_space<hbm>>
      tpu.wait_dma2 semaphore(%run_scoped3A : memref<!tpu.dma_semaphore, #tpu.memory_space<semaphore_mem>>) src(%dma_wait3A_413 : memref<512x128xi32, #tpu.memory_space<hbm>>) dst(%arg5 : memref<512x128xi32, #tpu.memory_space<vmem>>)
      tpu.yield
    }) : () -> ()
    %dma_start3A = arith.constant 0 : i32
    %dma_start3A_3 = arith.constant 0 : i32
    %dma_start3A_4 = arith.constant 0 : i32
    %dma_start3A_5 = tpu.memref_slice %arg6[%dma_start3A_3, %dma_start3A_4] : memref<448x64xf32, #tpu.memory_space<vmem>> -> memref<56x64xf32, #tpu.memory_space<vmem>>
    %dma_start3A_6 = arith.constant 0 : i32
    %dma_start3A_7 = tpu.memref_slice %arg5[%dma_start3A, %dma_start3A_6] : memref<512x128xi32, #tpu.memory_space<vmem>> -> memref<1x56xi32, #tpu.memory_space<vmem>>
    %dma_start3A_8 = tpu.memref_squeeze %dma_start3A_7 : memref<1x56xi32, #tpu.memory_space<vmem>> -> memref<56xi32, #tpu.memory_space<vmem>>
    %dma_start3A_9 = arith.constant 0 : i32
    %dma_start3A_10 = arith.constant 0 : i32
    %dma_start3A_11 = tpu.memref_slice %arg3[%dma_start3A_9, %dma_start3A_10] : memref<1000000x64xf32, #tpu.memory_space<hbm>> -> memref<1000000x64xf32, #tpu.memory_space<hbm>>
    tpu.enqueue_indirect_dma source(%dma_start3A_11 : memref<1000000x64xf32, #tpu.memory_space<hbm>>) target(%dma_start3A_5 : memref<56x64xf32, #tpu.memory_space<vmem>>) offsets(%dma_start3A_8 : memref<56xi32, #tpu.memory_space<vmem>>) semaphore(%arg8 : memref<!tpu.dma_semaphore, #tpu.memory_space<semaphore_mem>>)
    %dma_start3A_12 = arith.constant 1 : i32
    %dma_start3A_13 = arith.constant 56 : i32
    %dma_start3A_14 = arith.constant 0 : i32
    %dma_start3A_15 = tpu.memref_slice %arg6[%dma_start3A_13, %dma_start3A_14] : memref<448x64xf32, #tpu.memory_space<vmem>> -> memref<56x64xf32, #tpu.memory_space<vmem>>
    %dma_start3A_16 = arith.constant 0 : i32
    %dma_start3A_17 = tpu.memref_slice %arg5[%dma_start3A_12, %dma_start3A_16] : memref<512x128xi32, #tpu.memory_space<vmem>> -> memref<1x56xi32, #tpu.memory_space<vmem>>
    %dma_start3A_18 = tpu.memref_squeeze %dma_start3A_17 : memref<1x56xi32, #tpu.memory_space<vmem>> -> memref<56xi32, #tpu.memory_space<vmem>>
    %dma_start3A_19 = arith.constant 0 : i32
    %dma_start3A_20 = arith.constant 0 : i32
    %dma_start3A_21 = tpu.memref_slice %arg3[%dma_start3A_19, %dma_start3A_20] : memref<1000000x64xf32, #tpu.memory_space<hbm>> -> memref<1000000x64xf32, #tpu.memory_space<hbm>>
    tpu.enqueue_indirect_dma source(%dma_start3A_21 : memref<1000000x64xf32, #tpu.memory_space<hbm>>) target(%dma_start3A_15 : memref<56x64xf32, #tpu.memory_space<vmem>>) offsets(%dma_start3A_18 : memref<56xi32, #tpu.memory_space<vmem>>) semaphore(%arg8 : memref<!tpu.dma_semaphore, #tpu.memory_space<semaphore_mem>>)
    %dma_start3A_22 = arith.constant 2 : i32
    %dma_start3A_23 = arith.constant 112 : i32
    %dma_start3A_24 = arith.constant 0 : i32
    %dma_start3A_25 = tpu.memref_slice %arg6[%dma_start3A_23, %dma_start3A_24] : memref<448x64xf32, #tpu.memory_space<vmem>> -> memref<56x64xf32, #tpu.memory_space<vmem>>
    %dma_start3A_26 = arith.constant 0 : i32
    %dma_start3A_27 = tpu.memref_slice %arg5[%dma_start3A_22, %dma_start3A_26] : memref<512x128xi32, #tpu.memory_space<vmem>> -> memref<1x56xi32, #tpu.memory_space<vmem>>
    %dma_start3A_28 = tpu.memref_squeeze %dma_start3A_27 : memref<1x56xi32, #tpu.memory_space<vmem>> -> memref<56xi32, #tpu.memory_space<vmem>>
    %dma_start3A_29 = arith.constant 0 : i32
    %dma_start3A_30 = arith.constant 0 : i32
    %dma_start3A_31 = tpu.memref_slice %arg3[%dma_start3A_29, %dma_start3A_30] : memref<1000000x64xf32, #tpu.memory_space<hbm>> -> memref<1000000x64xf32, #tpu.memory_space<hbm>>
    tpu.enqueue_indirect_dma source(%dma_start3A_31 : memref<1000000x64xf32, #tpu.memory_space<hbm>>) target(%dma_start3A_25 : memref<56x64xf32, #tpu.memory_space<vmem>>) offsets(%dma_start3A_28 : memref<56xi32, #tpu.memory_space<vmem>>) semaphore(%arg8 : memref<!tpu.dma_semaphore, #tpu.memory_space<semaphore_mem>>)
    %dma_start3A_32 = arith.constant 3 : i32
    %dma_start3A_33 = arith.constant 168 : i32
    %dma_start3A_34 = arith.constant 0 : i32
    %dma_start3A_35 = tpu.memref_slice %arg6[%dma_start3A_33, %dma_start3A_34] : memref<448x64xf32, #tpu.memory_space<vmem>> -> memref<56x64xf32, #tpu.memory_space<vmem>>
    %dma_start3A_36 = arith.constant 0 : i32
    %dma_start3A_37 = tpu.memref_slice %arg5[%dma_start3A_32, %dma_start3A_36] : memref<512x128xi32, #tpu.memory_space<vmem>> -> memref<1x56xi32, #tpu.memory_space<vmem>>
    %dma_start3A_38 = tpu.memref_squeeze %dma_start3A_37 : memref<1x56xi32, #tpu.memory_space<vmem>> -> memref<56xi32, #tpu.memory_space<vmem>>
    %dma_start3A_39 = arith.constant 0 : i32
    %dma_start3A_40 = arith.constant 0 : i32
    %dma_start3A_41 = tpu.memref_slice %arg3[%dma_start3A_39, %dma_start3A_40] : memref<1000000x64xf32, #tpu.memory_space<hbm>> -> memref<1000000x64xf32, #tpu.memory_space<hbm>>
    tpu.enqueue_indirect_dma source(%dma_start3A_41 : memref<1000000x64xf32, #tpu.memory_space<hbm>>) target(%dma_start3A_35 : memref<56x64xf32, #tpu.memory_space<vmem>>) offsets(%dma_start3A_38 : memref<56xi32, #tpu.memory_space<vmem>>) semaphore(%arg8 : memref<!tpu.dma_semaphore, #tpu.memory_space<semaphore_mem>>)
    %dma_start3A_42 = arith.constant 4 : i32
    %dma_start3A_43 = arith.constant 224 : i32
    %dma_start3A_44 = arith.constant 0 : i32
    %dma_start3A_45 = tpu.memref_slice %arg6[%dma_start3A_43, %dma_start3A_44] : memref<448x64xf32, #tpu.memory_space<vmem>> -> memref<56x64xf32, #tpu.memory_space<vmem>>
    %dma_start3A_46 = arith.constant 0 : i32
    %dma_start3A_47 = tpu.memref_slice %arg5[%dma_start3A_42, %dma_start3A_46] : memref<512x128xi32, #tpu.memory_space<vmem>> -> memref<1x56xi32, #tpu.memory_space<vmem>>
    %dma_start3A_48 = tpu.memref_squeeze %dma_start3A_47 : memref<1x56xi32, #tpu.memory_space<vmem>> -> memref<56xi32, #tpu.memory_space<vmem>>
    %dma_start3A_49 = arith.constant 0 : i32
    %dma_start3A_50 = arith.constant 0 : i32
    %dma_start3A_51 = tpu.memref_slice %arg3[%dma_start3A_49, %dma_start3A_50] : memref<1000000x64xf32, #tpu.memory_space<hbm>> -> memref<1000000x64xf32, #tpu.memory_space<hbm>>
    tpu.enqueue_indirect_dma source(%dma_start3A_51 : memref<1000000x64xf32, #tpu.memory_space<hbm>>) target(%dma_start3A_45 : memref<56x64xf32, #tpu.memory_space<vmem>>) offsets(%dma_start3A_48 : memref<56xi32, #tpu.memory_space<vmem>>) semaphore(%arg8 : memref<!tpu.dma_semaphore, #tpu.memory_space<semaphore_mem>>)
    %dma_start3A_52 = arith.constant 5 : i32
    %dma_start3A_53 = arith.constant 280 : i32
    %dma_start3A_54 = arith.constant 0 : i32
    %dma_start3A_55 = tpu.memref_slice %arg6[%dma_start3A_53, %dma_start3A_54] : memref<448x64xf32, #tpu.memory_space<vmem>> -> memref<56x64xf32, #tpu.memory_space<vmem>>
    %dma_start3A_56 = arith.constant 0 : i32
    %dma_start3A_57 = tpu.memref_slice %arg5[%dma_start3A_52, %dma_start3A_56] : memref<512x128xi32, #tpu.memory_space<vmem>> -> memref<1x56xi32, #tpu.memory_space<vmem>>
    %dma_start3A_58 = tpu.memref_squeeze %dma_start3A_57 : memref<1x56xi32, #tpu.memory_space<vmem>> -> memref<56xi32, #tpu.memory_space<vmem>>
    %dma_start3A_59 = arith.constant 0 : i32
    %dma_start3A_60 = arith.constant 0 : i32
    %dma_start3A_61 = tpu.memref_slice %arg3[%dma_start3A_59, %dma_start3A_60] : memref<1000000x64xf32, #tpu.memory_space<hbm>> -> memref<1000000x64xf32, #tpu.memory_space<hbm>>
    tpu.enqueue_indirect_dma source(%dma_start3A_61 : memref<1000000x64xf32, #tpu.memory_space<hbm>>) target(%dma_start3A_55 : memref<56x64xf32, #tpu.memory_space<vmem>>) offsets(%dma_start3A_58 : memref<56xi32, #tpu.memory_space<vmem>>) semaphore(%arg8 : memref<!tpu.dma_semaphore, #tpu.memory_space<semaphore_mem>>)
    %dma_start3A_62 = arith.constant 6 : i32
    %dma_start3A_63 = arith.constant 336 : i32
    %dma_start3A_64 = arith.constant 0 : i32
    %dma_start3A_65 = tpu.memref_slice %arg6[%dma_start3A_63, %dma_start3A_64] : memref<448x64xf32, #tpu.memory_space<vmem>> -> memref<56x64xf32, #tpu.memory_space<vmem>>
    %dma_start3A_66 = arith.constant 0 : i32
    %dma_start3A_67 = tpu.memref_slice %arg5[%dma_start3A_62, %dma_start3A_66] : memref<512x128xi32, #tpu.memory_space<vmem>> -> memref<1x56xi32, #tpu.memory_space<vmem>>
    %dma_start3A_68 = tpu.memref_squeeze %dma_start3A_67 : memref<1x56xi32, #tpu.memory_space<vmem>> -> memref<56xi32, #tpu.memory_space<vmem>>
    %dma_start3A_69 = arith.constant 0 : i32
    %dma_start3A_70 = arith.constant 0 : i32
    %dma_start3A_71 = tpu.memref_slice %arg3[%dma_start3A_69, %dma_start3A_70] : memref<1000000x64xf32, #tpu.memory_space<hbm>> -> memref<1000000x64xf32, #tpu.memory_space<hbm>>
    tpu.enqueue_indirect_dma source(%dma_start3A_71 : memref<1000000x64xf32, #tpu.memory_space<hbm>>) target(%dma_start3A_65 : memref<56x64xf32, #tpu.memory_space<vmem>>) offsets(%dma_start3A_68 : memref<56xi32, #tpu.memory_space<vmem>>) semaphore(%arg8 : memref<!tpu.dma_semaphore, #tpu.memory_space<semaphore_mem>>)
    %dma_start3A_72 = arith.constant 7 : i32
    %dma_start3A_73 = arith.constant 392 : i32
    %dma_start3A_74 = arith.constant 0 : i32
    %dma_start3A_75 = tpu.memref_slice %arg6[%dma_start3A_73, %dma_start3A_74] : memref<448x64xf32, #tpu.memory_space<vmem>> -> memref<56x64xf32, #tpu.memory_space<vmem>>
    %dma_start3A_76 = arith.constant 0 : i32
    %dma_start3A_77 = tpu.memref_slice %arg5[%dma_start3A_72, %dma_start3A_76] : memref<512x128xi32, #tpu.memory_space<vmem>> -> memref<1x56xi32, #tpu.memory_space<vmem>>
    %dma_start3A_78 = tpu.memref_squeeze %dma_start3A_77 : memref<1x56xi32, #tpu.memory_space<vmem>> -> memref<56xi32, #tpu.memory_space<vmem>>
    %dma_start3A_79 = arith.constant 0 : i32
    %dma_start3A_80 = arith.constant 0 : i32
    %dma_start3A_81 = tpu.memref_slice %arg3[%dma_start3A_79, %dma_start3A_80] : memref<1000000x64xf32, #tpu.memory_space<hbm>> -> memref<1000000x64xf32, #tpu.memory_space<hbm>>
    tpu.enqueue_indirect_dma source(%dma_start3A_81 : memref<1000000x64xf32, #tpu.memory_space<hbm>>) target(%dma_start3A_75 : memref<56x64xf32, #tpu.memory_space<vmem>>) offsets(%dma_start3A_78 : memref<56xi32, #tpu.memory_space<vmem>>) semaphore(%arg8 : memref<!tpu.dma_semaphore, #tpu.memory_space<semaphore_mem>>)
    %dma_start3A_82 = arith.constant 8 : i32
    %dma_start3A_83 = arith.constant 0 : i32
    %dma_start3A_84 = arith.constant 0 : i32
    %dma_start3A_85 = tpu.memref_slice %arg7[%dma_start3A_83, %dma_start3A_84] : memref<448x64xf32, #tpu.memory_space<vmem>> -> memref<56x64xf32, #tpu.memory_space<vmem>>
    %dma_start3A_86 = arith.constant 0 : i32
    %dma_start3A_87 = tpu.memref_slice %arg5[%dma_start3A_82, %dma_start3A_86] : memref<512x128xi32, #tpu.memory_space<vmem>> -> memref<1x56xi32, #tpu.memory_space<vmem>>
    %dma_start3A_88 = tpu.memref_squeeze %dma_start3A_87 : memref<1x56xi32, #tpu.memory_space<vmem>> -> memref<56xi32, #tpu.memory_space<vmem>>
    %dma_start3A_89 = arith.constant 0 : i32
    %dma_start3A_90 = arith.constant 0 : i32
    %dma_start3A_91 = tpu.memref_slice %arg3[%dma_start3A_89, %dma_start3A_90] : memref<1000000x64xf32, #tpu.memory_space<hbm>> -> memref<1000000x64xf32, #tpu.memory_space<hbm>>
    tpu.enqueue_indirect_dma source(%dma_start3A_91 : memref<1000000x64xf32, #tpu.memory_space<hbm>>) target(%dma_start3A_85 : memref<56x64xf32, #tpu.memory_space<vmem>>) offsets(%dma_start3A_88 : memref<56xi32, #tpu.memory_space<vmem>>) semaphore(%arg9 : memref<!tpu.dma_semaphore, #tpu.memory_space<semaphore_mem>>)
    %dma_start3A_92 = arith.constant 9 : i32
    %dma_start3A_93 = arith.constant 56 : i32
    %dma_start3A_94 = arith.constant 0 : i32
    %dma_start3A_95 = tpu.memref_slice %arg7[%dma_start3A_93, %dma_start3A_94] : memref<448x64xf32, #tpu.memory_space<vmem>> -> memref<56x64xf32, #tpu.memory_space<vmem>>
    %dma_start3A_96 = arith.constant 0 : i32
    %dma_start3A_97 = tpu.memref_slice %arg5[%dma_start3A_92, %dma_start3A_96] : memref<512x128xi32, #tpu.memory_space<vmem>> -> memref<1x56xi32, #tpu.memory_space<vmem>>
    %dma_start3A_98 = tpu.memref_squeeze %dma_start3A_97 : memref<1x56xi32, #tpu.memory_space<vmem>> -> memref<56xi32, #tpu.memory_space<vmem>>
    %dma_start3A_99 = arith.constant 0 : i32
    %dma_start3A_100 = arith.constant 0 : i32
    %dma_start3A_101 = tpu.memref_slice %arg3[%dma_start3A_99, %dma_start3A_100] : memref<1000000x64xf32, #tpu.memory_space<hbm>> -> memref<1000000x64xf32, #tpu.memory_space<hbm>>
    tpu.enqueue_indirect_dma source(%dma_start3A_101 : memref<1000000x64xf32, #tpu.memory_space<hbm>>) target(%dma_start3A_95 : memref<56x64xf32, #tpu.memory_space<vmem>>) offsets(%dma_start3A_98 : memref<56xi32, #tpu.memory_space<vmem>>) semaphore(%arg9 : memref<!tpu.dma_semaphore, #tpu.memory_space<semaphore_mem>>)
    %dma_start3A_102 = arith.constant 10 : i32
    %dma_start3A_103 = arith.constant 112 : i32
    %dma_start3A_104 = arith.constant 0 : i32
    %dma_start3A_105 = tpu.memref_slice %arg7[%dma_start3A_103, %dma_start3A_104] : memref<448x64xf32, #tpu.memory_space<vmem>> -> memref<56x64xf32, #tpu.memory_space<vmem>>
    %dma_start3A_106 = arith.constant 0 : i32
    %dma_start3A_107 = tpu.memref_slice %arg5[%dma_start3A_102, %dma_start3A_106] : memref<512x128xi32, #tpu.memory_space<vmem>> -> memref<1x56xi32, #tpu.memory_space<vmem>>
    %dma_start3A_108 = tpu.memref_squeeze %dma_start3A_107 : memref<1x56xi32, #tpu.memory_space<vmem>> -> memref<56xi32, #tpu.memory_space<vmem>>
    %dma_start3A_109 = arith.constant 0 : i32
    %dma_start3A_110 = arith.constant 0 : i32
    %dma_start3A_111 = tpu.memref_slice %arg3[%dma_start3A_109, %dma_start3A_110] : memref<1000000x64xf32, #tpu.memory_space<hbm>> -> memref<1000000x64xf32, #tpu.memory_space<hbm>>
    tpu.enqueue_indirect_dma source(%dma_start3A_111 : memref<1000000x64xf32, #tpu.memory_space<hbm>>) target(%dma_start3A_105 : memref<56x64xf32, #tpu.memory_space<vmem>>) offsets(%dma_start3A_108 : memref<56xi32, #tpu.memory_space<vmem>>) semaphore(%arg9 : memref<!tpu.dma_semaphore, #tpu.memory_space<semaphore_mem>>)
    %dma_start3A_112 = arith.constant 11 : i32
    %dma_start3A_113 = arith.constant 168 : i32
    %dma_start3A_114 = arith.constant 0 : i32
    %dma_start3A_115 = tpu.memref_slice %arg7[%dma_start3A_113, %dma_start3A_114] : memref<448x64xf32, #tpu.memory_space<vmem>> -> memref<56x64xf32, #tpu.memory_space<vmem>>
    %dma_start3A_116 = arith.constant 0 : i32
    %dma_start3A_117 = tpu.memref_slice %arg5[%dma_start3A_112, %dma_start3A_116] : memref<512x128xi32, #tpu.memory_space<vmem>> -> memref<1x56xi32, #tpu.memory_space<vmem>>
    %dma_start3A_118 = tpu.memref_squeeze %dma_start3A_117 : memref<1x56xi32, #tpu.memory_space<vmem>> -> memref<56xi32, #tpu.memory_space<vmem>>
    %dma_start3A_119 = arith.constant 0 : i32
    %dma_start3A_120 = arith.constant 0 : i32
    %dma_start3A_121 = tpu.memref_slice %arg3[%dma_start3A_119, %dma_start3A_120] : memref<1000000x64xf32, #tpu.memory_space<hbm>> -> memref<1000000x64xf32, #tpu.memory_space<hbm>>
    tpu.enqueue_indirect_dma source(%dma_start3A_121 : memref<1000000x64xf32, #tpu.memory_space<hbm>>) target(%dma_start3A_115 : memref<56x64xf32, #tpu.memory_space<vmem>>) offsets(%dma_start3A_118 : memref<56xi32, #tpu.memory_space<vmem>>) semaphore(%arg9 : memref<!tpu.dma_semaphore, #tpu.memory_space<semaphore_mem>>)
    %dma_start3A_122 = arith.constant 12 : i32
    %dma_start3A_123 = arith.constant 224 : i32
    %dma_start3A_124 = arith.constant 0 : i32
    %dma_start3A_125 = tpu.memref_slice %arg7[%dma_start3A_123, %dma_start3A_124] : memref<448x64xf32, #tpu.memory_space<vmem>> -> memref<56x64xf32, #tpu.memory_space<vmem>>
    %dma_start3A_126 = arith.constant 0 : i32
    %dma_start3A_127 = tpu.memref_slice %arg5[%dma_start3A_122, %dma_start3A_126] : memref<512x128xi32, #tpu.memory_space<vmem>> -> memref<1x56xi32, #tpu.memory_space<vmem>>
    %dma_start3A_128 = tpu.memref_squeeze %dma_start3A_127 : memref<1x56xi32, #tpu.memory_space<vmem>> -> memref<56xi32, #tpu.memory_space<vmem>>
    %dma_start3A_129 = arith.constant 0 : i32
    %dma_start3A_130 = arith.constant 0 : i32
    %dma_start3A_131 = tpu.memref_slice %arg3[%dma_start3A_129, %dma_start3A_130] : memref<1000000x64xf32, #tpu.memory_space<hbm>> -> memref<1000000x64xf32, #tpu.memory_space<hbm>>
    tpu.enqueue_indirect_dma source(%dma_start3A_131 : memref<1000000x64xf32, #tpu.memory_space<hbm>>) target(%dma_start3A_125 : memref<56x64xf32, #tpu.memory_space<vmem>>) offsets(%dma_start3A_128 : memref<56xi32, #tpu.memory_space<vmem>>) semaphore(%arg9 : memref<!tpu.dma_semaphore, #tpu.memory_space<semaphore_mem>>)
    %dma_start3A_132 = arith.constant 13 : i32
    %dma_start3A_133 = arith.constant 280 : i32
    %dma_start3A_134 = arith.constant 0 : i32
    %dma_start3A_135 = tpu.memref_slice %arg7[%dma_start3A_133, %dma_start3A_134] : memref<448x64xf32, #tpu.memory_space<vmem>> -> memref<56x64xf32, #tpu.memory_space<vmem>>
    %dma_start3A_136 = arith.constant 0 : i32
    %dma_start3A_137 = tpu.memref_slice %arg5[%dma_start3A_132, %dma_start3A_136] : memref<512x128xi32, #tpu.memory_space<vmem>> -> memref<1x56xi32, #tpu.memory_space<vmem>>
    %dma_start3A_138 = tpu.memref_squeeze %dma_start3A_137 : memref<1x56xi32, #tpu.memory_space<vmem>> -> memref<56xi32, #tpu.memory_space<vmem>>
    %dma_start3A_139 = arith.constant 0 : i32
    %dma_start3A_140 = arith.constant 0 : i32
    %dma_start3A_141 = tpu.memref_slice %arg3[%dma_start3A_139, %dma_start3A_140] : memref<1000000x64xf32, #tpu.memory_space<hbm>> -> memref<1000000x64xf32, #tpu.memory_space<hbm>>
    tpu.enqueue_indirect_dma source(%dma_start3A_141 : memref<1000000x64xf32, #tpu.memory_space<hbm>>) target(%dma_start3A_135 : memref<56x64xf32, #tpu.memory_space<vmem>>) offsets(%dma_start3A_138 : memref<56xi32, #tpu.memory_space<vmem>>) semaphore(%arg9 : memref<!tpu.dma_semaphore, #tpu.memory_space<semaphore_mem>>)
    %dma_start3A_142 = arith.constant 14 : i32
    %dma_start3A_143 = arith.constant 336 : i32
    %dma_start3A_144 = arith.constant 0 : i32
    %dma_start3A_145 = tpu.memref_slice %arg7[%dma_start3A_143, %dma_start3A_144] : memref<448x64xf32, #tpu.memory_space<vmem>> -> memref<56x64xf32, #tpu.memory_space<vmem>>
    %dma_start3A_146 = arith.constant 0 : i32
    %dma_start3A_147 = tpu.memref_slice %arg5[%dma_start3A_142, %dma_start3A_146] : memref<512x128xi32, #tpu.memory_space<vmem>> -> memref<1x56xi32, #tpu.memory_space<vmem>>
    %dma_start3A_148 = tpu.memref_squeeze %dma_start3A_147 : memref<1x56xi32, #tpu.memory_space<vmem>> -> memref<56xi32, #tpu.memory_space<vmem>>
    %dma_start3A_149 = arith.constant 0 : i32
    %dma_start3A_150 = arith.constant 0 : i32
    %dma_start3A_151 = tpu.memref_slice %arg3[%dma_start3A_149, %dma_start3A_150] : memref<1000000x64xf32, #tpu.memory_space<hbm>> -> memref<1000000x64xf32, #tpu.memory_space<hbm>>
    tpu.enqueue_indirect_dma source(%dma_start3A_151 : memref<1000000x64xf32, #tpu.memory_space<hbm>>) target(%dma_start3A_145 : memref<56x64xf32, #tpu.memory_space<vmem>>) offsets(%dma_start3A_148 : memref<56xi32, #tpu.memory_space<vmem>>) semaphore(%arg9 : memref<!tpu.dma_semaphore, #tpu.memory_space<semaphore_mem>>)
    %dma_start3A_152 = arith.constant 15 : i32
    %dma_start3A_153 = arith.constant 392 : i32
    %dma_start3A_154 = arith.constant 0 : i32
    %dma_start3A_155 = tpu.memref_slice %arg7[%dma_start3A_153, %dma_start3A_154] : memref<448x64xf32, #tpu.memory_space<vmem>> -> memref<56x64xf32, #tpu.memory_space<vmem>>
    %dma_start3A_156 = arith.constant 0 : i32
    %dma_start3A_157 = tpu.memref_slice %arg5[%dma_start3A_152, %dma_start3A_156] : memref<512x128xi32, #tpu.memory_space<vmem>> -> memref<1x56xi32, #tpu.memory_space<vmem>>
    %dma_start3A_158 = tpu.memref_squeeze %dma_start3A_157 : memref<1x56xi32, #tpu.memory_space<vmem>> -> memref<56xi32, #tpu.memory_space<vmem>>
    %dma_start3A_159 = arith.constant 0 : i32
    %dma_start3A_160 = arith.constant 0 : i32
    %dma_start3A_161 = tpu.memref_slice %arg3[%dma_start3A_159, %dma_start3A_160] : memref<1000000x64xf32, #tpu.memory_space<hbm>> -> memref<1000000x64xf32, #tpu.memory_space<hbm>>
    tpu.enqueue_indirect_dma source(%dma_start3A_161 : memref<1000000x64xf32, #tpu.memory_space<hbm>>) target(%dma_start3A_155 : memref<56x64xf32, #tpu.memory_space<vmem>>) offsets(%dma_start3A_158 : memref<56xi32, #tpu.memory_space<vmem>>) semaphore(%arg9 : memref<!tpu.dma_semaphore, #tpu.memory_space<semaphore_mem>>)
    %scan3A = arith.constant 0 : i32
    %scan3A_162 = arith.constant 0 : i32
    %scan3A_163 = arith.constant 32 : i32
    %scan3A_164 = arith.addi %scan3A_162, %scan3A_163 : i32
    %scan3A_165 = arith.constant 1 : i32
    scf.for %scan3A_406 = %scan3A_162 to %scan3A_164 step %scan3A_165  : i32 {
      %mul3A_407 = arith.constant 2 : i32
      %mul3A_408 = arith.muli %scan3A_406, %mul3A_407 : i32
      %add3A_409 = arith.constant 0 : i32
      %add3A_410 = arith.addi %mul3A_408, %add3A_409 : i32
      %dma_wait3A_411 = arith.constant 0 : i32
      %dma_wait3A_412 = arith.constant 0 : i32
      %dma_wait3A_413 = tpu.memref_slice %arg6[%dma_wait3A_411, %dma_wait3A_412] : memref<448x64xf32, #tpu.memory_space<vmem>> -> memref<56x64xf32, #tpu.memory_space<vmem>>
      %dma_wait3A_414 = arith.constant 0 : i32
      %dma_wait3A_415 = arith.constant 0 : i32
      %dma_wait3A_416 = tpu.memref_slice %arg3[%dma_wait3A_414, %dma_wait3A_415] : memref<1000000x64xf32, #tpu.memory_space<hbm>> -> memref<56x64xf32, #tpu.memory_space<hbm>>
      %dma_wait3A_417 = arith.constant 0 : i32
      %dma_wait3A_418 = arith.constant 0 : i32
      %dma_wait3A_419 = tpu.memref_slice %arg6[%dma_wait3A_417, %dma_wait3A_418] : memref<448x64xf32, #tpu.memory_space<vmem>> -> memref<56x64xf32, #tpu.memory_space<vmem>>
      %dma_wait3A_420 = arith.constant 0 : i32
      %dma_wait3A_421 = arith.constant 0 : i32
      %dma_wait3A_422 = tpu.memref_slice %arg3[%dma_wait3A_420, %dma_wait3A_421] : memref<1000000x64xf32, #tpu.memory_space<hbm>> -> memref<56x64xf32, #tpu.memory_space<hbm>>
      tpu.wait_dma2 semaphore(%arg8 : memref<!tpu.dma_semaphore, #tpu.memory_space<semaphore_mem>>) src(%dma_wait3A_422 : memref<56x64xf32, #tpu.memory_space<hbm>>) dst(%dma_wait3A_419 : memref<56x64xf32, #tpu.memory_space<vmem>>)
      %dma_wait3A_423 = arith.constant 0 : i32
      %dma_wait3A_424 = arith.constant 0 : i32
      %dma_wait3A_425 = tpu.memref_slice %arg6[%dma_wait3A_423, %dma_wait3A_424] : memref<448x64xf32, #tpu.memory_space<vmem>> -> memref<56x64xf32, #tpu.memory_space<vmem>>
      %dma_wait3A_426 = arith.constant 0 : i32
      %dma_wait3A_427 = arith.constant 0 : i32
      %dma_wait3A_428 = tpu.memref_slice %arg3[%dma_wait3A_426, %dma_wait3A_427] : memref<1000000x64xf32, #tpu.memory_space<hbm>> -> memref<56x64xf32, #tpu.memory_space<hbm>>
      %dma_wait3A_429 = arith.constant 0 : i32
      %dma_wait3A_430 = arith.constant 0 : i32
      %dma_wait3A_431 = tpu.memref_slice %arg6[%dma_wait3A_429, %dma_wait3A_430] : memref<448x64xf32, #tpu.memory_space<vmem>> -> memref<56x64xf32, #tpu.memory_space<vmem>>
      %dma_wait3A_432 = arith.constant 0 : i32
      %dma_wait3A_433 = arith.constant 0 : i32
      %dma_wait3A_434 = tpu.memref_slice %arg3[%dma_wait3A_432, %dma_wait3A_433] : memref<1000000x64xf32, #tpu.memory_space<hbm>> -> memref<56x64xf32, #tpu.memory_space<hbm>>
      tpu.wait_dma2 semaphore(%arg8 : memref<!tpu.dma_semaphore, #tpu.memory_space<semaphore_mem>>) src(%dma_wait3A_434 : memref<56x64xf32, #tpu.memory_space<hbm>>) dst(%dma_wait3A_431 : memref<56x64xf32, #tpu.memory_space<vmem>>)
      %dma_wait3A_435 = arith.constant 0 : i32
      %dma_wait3A_436 = arith.constant 0 : i32
      %dma_wait3A_437 = tpu.memref_slice %arg6[%dma_wait3A_435, %dma_wait3A_436] : memref<448x64xf32, #tpu.memory_space<vmem>> -> memref<56x64xf32, #tpu.memory_space<vmem>>
      %dma_wait3A_438 = arith.constant 0 : i32
      %dma_wait3A_439 = arith.constant 0 : i32
      %dma_wait3A_440 = tpu.memref_slice %arg3[%dma_wait3A_438, %dma_wait3A_439] : memref<1000000x64xf32, #tpu.memory_space<hbm>> -> memref<56x64xf32, #tpu.memory_space<hbm>>
      %dma_wait3A_441 = arith.constant 0 : i32
      %dma_wait3A_442 = arith.constant 0 : i32
      %dma_wait3A_443 = tpu.memref_slice %arg6[%dma_wait3A_441, %dma_wait3A_442] : memref<448x64xf32, #tpu.memory_space<vmem>> -> memref<56x64xf32, #tpu.memory_space<vmem>>
      %dma_wait3A_444 = arith.constant 0 : i32
      %dma_wait3A_445 = arith.constant 0 : i32
      %dma_wait3A_446 = tpu.memref_slice %arg3[%dma_wait3A_444, %dma_wait3A_445] : memref<1000000x64xf32, #tpu.memory_space<hbm>> -> memref<56x64xf32, #tpu.memory_space<hbm>>
      tpu.wait_dma2 semaphore(%arg8 : memref<!tpu.dma_semaphore, #tpu.memory_space<semaphore_mem>>) src(%dma_wait3A_446 : memref<56x64xf32, #tpu.memory_space<hbm>>) dst(%dma_wait3A_443 : memref<56x64xf32, #tpu.memory_space<vmem>>)
      %dma_wait3A_447 = arith.constant 0 : i32
      %dma_wait3A_448 = arith.constant 0 : i32
      %dma_wait3A_449 = tpu.memref_slice %arg6[%dma_wait3A_447, %dma_wait3A_448] : memref<448x64xf32, #tpu.memory_space<vmem>> -> memref<56x64xf32, #tpu.memory_space<vmem>>
      %dma_wait3A_450 = arith.constant 0 : i32
      %dma_wait3A_451 = arith.constant 0 : i32
      %dma_wait3A_452 = tpu.memref_slice %arg3[%dma_wait3A_450, %dma_wait3A_451] : memref<1000000x64xf32, #tpu.memory_space<hbm>> -> memref<56x64xf32, #tpu.memory_space<hbm>>
      %dma_wait3A_453 = arith.constant 0 : i32
      %dma_wait3A_454 = arith.constant 0 : i32
      %dma_wait3A_455 = tpu.memref_slice %arg6[%dma_wait3A_453, %dma_wait3A_454] : memref<448x64xf32, #tpu.memory_space<vmem>> -> memref<56x64xf32, #tpu.memory_space<vmem>>
      %dma_wait3A_456 = arith.constant 0 : i32
      %dma_wait3A_457 = arith.constant 0 : i32
      %dma_wait3A_458 = tpu.memref_slice %arg3[%dma_wait3A_456, %dma_wait3A_457] : memref<1000000x64xf32, #tpu.memory_space<hbm>> -> memref<56x64xf32, #tpu.memory_space<hbm>>
      tpu.wait_dma2 semaphore(%arg8 : memref<!tpu.dma_semaphore, #tpu.memory_space<semaphore_mem>>) src(%dma_wait3A_458 : memref<56x64xf32, #tpu.memory_space<hbm>>) dst(%dma_wait3A_455 : memref<56x64xf32, #tpu.memory_space<vmem>>)
      %dma_wait3A_459 = arith.constant 0 : i32
      %dma_wait3A_460 = arith.constant 0 : i32
      %dma_wait3A_461 = tpu.memref_slice %arg6[%dma_wait3A_459, %dma_wait3A_460] : memref<448x64xf32, #tpu.memory_space<vmem>> -> memref<56x64xf32, #tpu.memory_space<vmem>>
      %dma_wait3A_462 = arith.constant 0 : i32
      %dma_wait3A_463 = arith.constant 0 : i32
      %dma_wait3A_464 = tpu.memref_slice %arg3[%dma_wait3A_462, %dma_wait3A_463] : memref<1000000x64xf32, #tpu.memory_space<hbm>> -> memref<56x64xf32, #tpu.memory_space<hbm>>
      %dma_wait3A_465 = arith.constant 0 : i32
      %dma_wait3A_466 = arith.constant 0 : i32
      %dma_wait3A_467 = tpu.memref_slice %arg6[%dma_wait3A_465, %dma_wait3A_466] : memref<448x64xf32, #tpu.memory_space<vmem>> -> memref<56x64xf32, #tpu.memory_space<vmem>>
      %dma_wait3A_468 = arith.constant 0 : i32
      %dma_wait3A_469 = arith.constant 0 : i32
      %dma_wait3A_470 = tpu.memref_slice %arg3[%dma_wait3A_468, %dma_wait3A_469] : memref<1000000x64xf32, #tpu.memory_space<hbm>> -> memref<56x64xf32, #tpu.memory_space<hbm>>
      tpu.wait_dma2 semaphore(%arg8 : memref<!tpu.dma_semaphore, #tpu.memory_space<semaphore_mem>>) src(%dma_wait3A_470 : memref<56x64xf32, #tpu.memory_space<hbm>>) dst(%dma_wait3A_467 : memref<56x64xf32, #tpu.memory_space<vmem>>)
      %dma_wait3A_471 = arith.constant 0 : i32
      %dma_wait3A_472 = arith.constant 0 : i32
      %dma_wait3A_473 = tpu.memref_slice %arg6[%dma_wait3A_471, %dma_wait3A_472] : memref<448x64xf32, #tpu.memory_space<vmem>> -> memref<56x64xf32, #tpu.memory_space<vmem>>
      %dma_wait3A_474 = arith.constant 0 : i32
      %dma_wait3A_475 = arith.constant 0 : i32
      %dma_wait3A_476 = tpu.memref_slice %arg3[%dma_wait3A_474, %dma_wait3A_475] : memref<1000000x64xf32, #tpu.memory_space<hbm>> -> memref<56x64xf32, #tpu.memory_space<hbm>>
      %dma_wait3A_477 = arith.constant 0 : i32
      %dma_wait3A_478 = arith.constant 0 : i32
      %dma_wait3A_479 = tpu.memref_slice %arg6[%dma_wait3A_477, %dma_wait3A_478] : memref<448x64xf32, #tpu.memory_space<vmem>> -> memref<56x64xf32, #tpu.memory_space<vmem>>
      %dma_wait3A_480 = arith.constant 0 : i32
      %dma_wait3A_481 = arith.constant 0 : i32
      %dma_wait3A_482 = tpu.memref_slice %arg3[%dma_wait3A_480, %dma_wait3A_481] : memref<1000000x64xf32, #tpu.memory_space<hbm>> -> memref<56x64xf32, #tpu.memory_space<hbm>>
      tpu.wait_dma2 semaphore(%arg8 : memref<!tpu.dma_semaphore, #tpu.memory_space<semaphore_mem>>) src(%dma_wait3A_482 : memref<56x64xf32, #tpu.memory_space<hbm>>) dst(%dma_wait3A_479 : memref<56x64xf32, #tpu.memory_space<vmem>>)
      %dma_wait3A_483 = arith.constant 0 : i32
      %dma_wait3A_484 = arith.constant 0 : i32
      %dma_wait3A_485 = tpu.memref_slice %arg6[%dma_wait3A_483, %dma_wait3A_484] : memref<448x64xf32, #tpu.memory_space<vmem>> -> memref<56x64xf32, #tpu.memory_space<vmem>>
      %dma_wait3A_486 = arith.constant 0 : i32
      %dma_wait3A_487 = arith.constant 0 : i32
      %dma_wait3A_488 = tpu.memref_slice %arg3[%dma_wait3A_486, %dma_wait3A_487] : memref<1000000x64xf32, #tpu.memory_space<hbm>> -> memref<56x64xf32, #tpu.memory_space<hbm>>
      %dma_wait3A_489 = arith.constant 0 : i32
      %dma_wait3A_490 = arith.constant 0 : i32
      %dma_wait3A_491 = tpu.memref_slice %arg6[%dma_wait3A_489, %dma_wait3A_490] : memref<448x64xf32, #tpu.memory_space<vmem>> -> memref<56x64xf32, #tpu.memory_space<vmem>>
      %dma_wait3A_492 = arith.constant 0 : i32
      %dma_wait3A_493 = arith.constant 0 : i32
      %dma_wait3A_494 = tpu.memref_slice %arg3[%dma_wait3A_492, %dma_wait3A_493] : memref<1000000x64xf32, #tpu.memory_space<hbm>> -> memref<56x64xf32, #tpu.memory_space<hbm>>
      tpu.wait_dma2 semaphore(%arg8 : memref<!tpu.dma_semaphore, #tpu.memory_space<semaphore_mem>>) src(%dma_wait3A_494 : memref<56x64xf32, #tpu.memory_space<hbm>>) dst(%dma_wait3A_491 : memref<56x64xf32, #tpu.memory_space<vmem>>)
      %dma_wait3A_495 = arith.constant 0 : i32
      %dma_wait3A_496 = arith.constant 0 : i32
      %dma_wait3A_497 = tpu.memref_slice %arg6[%dma_wait3A_495, %dma_wait3A_496] : memref<448x64xf32, #tpu.memory_space<vmem>> -> memref<56x64xf32, #tpu.memory_space<vmem>>
      %dma_wait3A_498 = arith.constant 0 : i32
      %dma_wait3A_499 = arith.constant 0 : i32
      %dma_wait3A_500 = tpu.memref_slice %arg3[%dma_wait3A_498, %dma_wait3A_499] : memref<1000000x64xf32, #tpu.memory_space<hbm>> -> memref<56x64xf32, #tpu.memory_space<hbm>>
      %dma_wait3A_501 = arith.constant 0 : i32
      %dma_wait3A_502 = arith.constant 0 : i32
      %dma_wait3A_503 = tpu.memref_slice %arg6[%dma_wait3A_501, %dma_wait3A_502] : memref<448x64xf32, #tpu.memory_space<vmem>> -> memref<56x64xf32, #tpu.memory_space<vmem>>
      %dma_wait3A_504 = arith.constant 0 : i32
      %dma_wait3A_505 = arith.constant 0 : i32
      %dma_wait3A_506 = tpu.memref_slice %arg3[%dma_wait3A_504, %dma_wait3A_505] : memref<1000000x64xf32, #tpu.memory_space<hbm>> -> memref<56x64xf32, #tpu.memory_space<hbm>>
      tpu.wait_dma2 semaphore(%arg8 : memref<!tpu.dma_semaphore, #tpu.memory_space<semaphore_mem>>) src(%dma_wait3A_506 : memref<56x64xf32, #tpu.memory_space<hbm>>) dst(%dma_wait3A_503 : memref<56x64xf32, #tpu.memory_space<vmem>>)
      %dma_start3A_507 = arith.constant 0 : i32
      %dma_start3A_508 = arith.constant 0 : i32
      %dma_start3A_509 = tpu.memref_slice %arg6[%dma_start3A_507, %dma_start3A_508] : memref<448x64xf32, #tpu.memory_space<vmem>> -> memref<50x64xf32, #tpu.memory_space<vmem>>
      %dma_start3A_510 = arith.constant 0 : i32
      %dma_start3A_511 = arith.constant 0 : i32
      %dma_start3A_512 = tpu.memref_slice %arg4[%add3A, %add3A_410, %dma_start3A_510, %dma_start3A_511] : memref<32x64x400x64xf32, #tpu.memory_space<hbm>> -> memref<1x1x50x64xf32, #tpu.memory_space<hbm>>
      %dma_start3A_513 = tpu.memref_squeeze %dma_start3A_512 : memref<1x1x50x64xf32, #tpu.memory_space<hbm>> -> memref<50x64xf32, #tpu.memory_space<hbm>>
      %dma_start3A_514 = arith.constant 0 : i32
      %dma_start3A_515 = arith.constant 0 : i32
      %dma_start3A_516 = tpu.memref_slice %arg4[%add3A, %add3A_410, %dma_start3A_514, %dma_start3A_515] : memref<32x64x400x64xf32, #tpu.memory_space<hbm>> -> memref<1x1x50x64xf32, #tpu.memory_space<hbm>>
      %dma_start3A_517 = tpu.memref_squeeze %dma_start3A_516 : memref<1x1x50x64xf32, #tpu.memory_space<hbm>> -> memref<50x64xf32, #tpu.memory_space<hbm>>
      %dma_start3A_518 = arith.constant 0 : i32
      %dma_start3A_519 = arith.constant 0 : i32
      %dma_start3A_520 = tpu.memref_slice %arg6[%dma_start3A_518, %dma_start3A_519] : memref<448x64xf32, #tpu.memory_space<vmem>> -> memref<50x64xf32, #tpu.memory_space<vmem>>
      tpu.enqueue_dma source(%dma_start3A_520 : memref<50x64xf32, #tpu.memory_space<vmem>>) target(%dma_start3A_517 : memref<50x64xf32, #tpu.memory_space<hbm>>) target_semaphore(%arg10 : memref<!tpu.dma_semaphore, #tpu.memory_space<semaphore_mem>>)
      %dma_start3A_521 = arith.constant 56 : i32
      %dma_start3A_522 = arith.constant 0 : i32
      %dma_start3A_523 = tpu.memref_slice %arg6[%dma_start3A_521, %dma_start3A_522] : memref<448x64xf32, #tpu.memory_space<vmem>> -> memref<50x64xf32, #tpu.memory_space<vmem>>
      %dma_start3A_524 = arith.constant 50 : i32
      %dma_start3A_525 = arith.constant 0 : i32
      %dma_start3A_526 = tpu.memref_slice %arg4[%add3A, %add3A_410, %dma_start3A_524, %dma_start3A_525] : memref<32x64x400x64xf32, #tpu.memory_space<hbm>> -> memref<1x1x50x64xf32, #tpu.memory_space<hbm>>
      %dma_start3A_527 = tpu.memref_squeeze %dma_start3A_526 : memref<1x1x50x64xf32, #tpu.memory_space<hbm>> -> memref<50x64xf32, #tpu.memory_space<hbm>>
      %dma_start3A_528 = arith.constant 50 : i32
      %dma_start3A_529 = arith.constant 0 : i32
      %dma_start3A_530 = tpu.memref_slice %arg4[%add3A, %add3A_410, %dma_start3A_528, %dma_start3A_529] : memref<32x64x400x64xf32, #tpu.memory_space<hbm>> -> memref<1x1x50x64xf32, #tpu.memory_space<hbm>>
      %dma_start3A_531 = tpu.memref_squeeze %dma_start3A_530 : memref<1x1x50x64xf32, #tpu.memory_space<hbm>> -> memref<50x64xf32, #tpu.memory_space<hbm>>
      %dma_start3A_532 = arith.constant 56 : i32
      %dma_start3A_533 = arith.constant 0 : i32
      %dma_start3A_534 = tpu.memref_slice %arg6[%dma_start3A_532, %dma_start3A_533] : memref<448x64xf32, #tpu.memory_space<vmem>> -> memref<50x64xf32, #tpu.memory_space<vmem>>
      tpu.enqueue_dma source(%dma_start3A_534 : memref<50x64xf32, #tpu.memory_space<vmem>>) target(%dma_start3A_531 : memref<50x64xf32, #tpu.memory_space<hbm>>) target_semaphore(%arg10 : memref<!tpu.dma_semaphore, #tpu.memory_space<semaphore_mem>>)
      %dma_start3A_535 = arith.constant 112 : i32
      %dma_start3A_536 = arith.constant 0 : i32
      %dma_start3A_537 = tpu.memref_slice %arg6[%dma_start3A_535, %dma_start3A_536] : memref<448x64xf32, #tpu.memory_space<vmem>> -> memref<50x64xf32, #tpu.memory_space<vmem>>
      %dma_start3A_538 = arith.constant 100 : i32
      %dma_start3A_539 = arith.constant 0 : i32
      %dma_start3A_540 = tpu.memref_slice %arg4[%add3A, %add3A_410, %dma_start3A_538, %dma_start3A_539] : memref<32x64x400x64xf32, #tpu.memory_space<hbm>> -> memref<1x1x50x64xf32, #tpu.memory_space<hbm>>
      %dma_start3A_541 = tpu.memref_squeeze %dma_start3A_540 : memref<1x1x50x64xf32, #tpu.memory_space<hbm>> -> memref<50x64xf32, #tpu.memory_space<hbm>>
      %dma_start3A_542 = arith.constant 100 : i32
      %dma_start3A_543 = arith.constant 0 : i32
      %dma_start3A_544 = tpu.memref_slice %arg4[%add3A, %add3A_410, %dma_start3A_542, %dma_start3A_543] : memref<32x64x400x64xf32, #tpu.memory_space<hbm>> -> memref<1x1x50x64xf32, #tpu.memory_space<hbm>>
      %dma_start3A_545 = tpu.memref_squeeze %dma_start3A_544 : memref<1x1x50x64xf32, #tpu.memory_space<hbm>> -> memref<50x64xf32, #tpu.memory_space<hbm>>
      %dma_start3A_546 = arith.constant 112 : i32
      %dma_start3A_547 = arith.constant 0 : i32
      %dma_start3A_548 = tpu.memref_slice %arg6[%dma_start3A_546, %dma_start3A_547] : memref<448x64xf32, #tpu.memory_space<vmem>> -> memref<50x64xf32, #tpu.memory_space<vmem>>
      tpu.enqueue_dma source(%dma_start3A_548 : memref<50x64xf32, #tpu.memory_space<vmem>>) target(%dma_start3A_545 : memref<50x64xf32, #tpu.memory_space<hbm>>) target_semaphore(%arg10 : memref<!tpu.dma_semaphore, #tpu.memory_space<semaphore_mem>>)
      %dma_start3A_549 = arith.constant 168 : i32
      %dma_start3A_550 = arith.constant 0 : i32
      %dma_start3A_551 = tpu.memref_slice %arg6[%dma_start3A_549, %dma_start3A_550] : memref<448x64xf32, #tpu.memory_space<vmem>> -> memref<50x64xf32, #tpu.memory_space<vmem>>
      %dma_start3A_552 = arith.constant 150 : i32
      %dma_start3A_553 = arith.constant 0 : i32
      %dma_start3A_554 = tpu.memref_slice %arg4[%add3A, %add3A_410, %dma_start3A_552, %dma_start3A_553] : memref<32x64x400x64xf32, #tpu.memory_space<hbm>> -> memref<1x1x50x64xf32, #tpu.memory_space<hbm>>
      %dma_start3A_555 = tpu.memref_squeeze %dma_start3A_554 : memref<1x1x50x64xf32, #tpu.memory_space<hbm>> -> memref<50x64xf32, #tpu.memory_space<hbm>>
      %dma_start3A_556 = arith.constant 150 : i32
      %dma_start3A_557 = arith.constant 0 : i32
      %dma_start3A_558 = tpu.memref_slice %arg4[%add3A, %add3A_410, %dma_start3A_556, %dma_start3A_557] : memref<32x64x400x64xf32, #tpu.memory_space<hbm>> -> memref<1x1x50x64xf32, #tpu.memory_space<hbm>>
      %dma_start3A_559 = tpu.memref_squeeze %dma_start3A_558 : memref<1x1x50x64xf32, #tpu.memory_space<hbm>> -> memref<50x64xf32, #tpu.memory_space<hbm>>
      %dma_start3A_560 = arith.constant 168 : i32
      %dma_start3A_561 = arith.constant 0 : i32
      %dma_start3A_562 = tpu.memref_slice %arg6[%dma_start3A_560, %dma_start3A_561] : memref<448x64xf32, #tpu.memory_space<vmem>> -> memref<50x64xf32, #tpu.memory_space<vmem>>
      tpu.enqueue_dma source(%dma_start3A_562 : memref<50x64xf32, #tpu.memory_space<vmem>>) target(%dma_start3A_559 : memref<50x64xf32, #tpu.memory_space<hbm>>) target_semaphore(%arg10 : memref<!tpu.dma_semaphore, #tpu.memory_space<semaphore_mem>>)
      %dma_start3A_563 = arith.constant 224 : i32
      %dma_start3A_564 = arith.constant 0 : i32
      %dma_start3A_565 = tpu.memref_slice %arg6[%dma_start3A_563, %dma_start3A_564] : memref<448x64xf32, #tpu.memory_space<vmem>> -> memref<50x64xf32, #tpu.memory_space<vmem>>
      %dma_start3A_566 = arith.constant 200 : i32
      %dma_start3A_567 = arith.constant 0 : i32
      %dma_start3A_568 = tpu.memref_slice %arg4[%add3A, %add3A_410, %dma_start3A_566, %dma_start3A_567] : memref<32x64x400x64xf32, #tpu.memory_space<hbm>> -> memref<1x1x50x64xf32, #tpu.memory_space<hbm>>
      %dma_start3A_569 = tpu.memref_squeeze %dma_start3A_568 : memref<1x1x50x64xf32, #tpu.memory_space<hbm>> -> memref<50x64xf32, #tpu.memory_space<hbm>>
      %dma_start3A_570 = arith.constant 200 : i32
      %dma_start3A_571 = arith.constant 0 : i32
      %dma_start3A_572 = tpu.memref_slice %arg4[%add3A, %add3A_410, %dma_start3A_570, %dma_start3A_571] : memref<32x64x400x64xf32, #tpu.memory_space<hbm>> -> memref<1x1x50x64xf32, #tpu.memory_space<hbm>>
      %dma_start3A_573 = tpu.memref_squeeze %dma_start3A_572 : memref<1x1x50x64xf32, #tpu.memory_space<hbm>> -> memref<50x64xf32, #tpu.memory_space<hbm>>
      %dma_start3A_574 = arith.constant 224 : i32
      %dma_start3A_575 = arith.constant 0 : i32
      %dma_start3A_576 = tpu.memref_slice %arg6[%dma_start3A_574, %dma_start3A_575] : memref<448x64xf32, #tpu.memory_space<vmem>> -> memref<50x64xf32, #tpu.memory_space<vmem>>
      tpu.enqueue_dma source(%dma_start3A_576 : memref<50x64xf32, #tpu.memory_space<vmem>>) target(%dma_start3A_573 : memref<50x64xf32, #tpu.memory_space<hbm>>) target_semaphore(%arg10 : memref<!tpu.dma_semaphore, #tpu.memory_space<semaphore_mem>>)
      %dma_start3A_577 = arith.constant 280 : i32
      %dma_start3A_578 = arith.constant 0 : i32
      %dma_start3A_579 = tpu.memref_slice %arg6[%dma_start3A_577, %dma_start3A_578] : memref<448x64xf32, #tpu.memory_space<vmem>> -> memref<50x64xf32, #tpu.memory_space<vmem>>
      %dma_start3A_580 = arith.constant 250 : i32
      %dma_start3A_581 = arith.constant 0 : i32
      %dma_start3A_582 = tpu.memref_slice %arg4[%add3A, %add3A_410, %dma_start3A_580, %dma_start3A_581] : memref<32x64x400x64xf32, #tpu.memory_space<hbm>> -> memref<1x1x50x64xf32, #tpu.memory_space<hbm>>
      %dma_start3A_583 = tpu.memref_squeeze %dma_start3A_582 : memref<1x1x50x64xf32, #tpu.memory_space<hbm>> -> memref<50x64xf32, #tpu.memory_space<hbm>>
      %dma_start3A_584 = arith.constant 250 : i32
      %dma_start3A_585 = arith.constant 0 : i32
      %dma_start3A_586 = tpu.memref_slice %arg4[%add3A, %add3A_410, %dma_start3A_584, %dma_start3A_585] : memref<32x64x400x64xf32, #tpu.memory_space<hbm>> -> memref<1x1x50x64xf32, #tpu.memory_space<hbm>>
      %dma_start3A_587 = tpu.memref_squeeze %dma_start3A_586 : memref<1x1x50x64xf32, #tpu.memory_space<hbm>> -> memref<50x64xf32, #tpu.memory_space<hbm>>
      %dma_start3A_588 = arith.constant 280 : i32
      %dma_start3A_589 = arith.constant 0 : i32
      %dma_start3A_590 = tpu.memref_slice %arg6[%dma_start3A_588, %dma_start3A_589] : memref<448x64xf32, #tpu.memory_space<vmem>> -> memref<50x64xf32, #tpu.memory_space<vmem>>
      tpu.enqueue_dma source(%dma_start3A_590 : memref<50x64xf32, #tpu.memory_space<vmem>>) target(%dma_start3A_587 : memref<50x64xf32, #tpu.memory_space<hbm>>) target_semaphore(%arg10 : memref<!tpu.dma_semaphore, #tpu.memory_space<semaphore_mem>>)
      %dma_start3A_591 = arith.constant 336 : i32
      %dma_start3A_592 = arith.constant 0 : i32
      %dma_start3A_593 = tpu.memref_slice %arg6[%dma_start3A_591, %dma_start3A_592] : memref<448x64xf32, #tpu.memory_space<vmem>> -> memref<50x64xf32, #tpu.memory_space<vmem>>
      %dma_start3A_594 = arith.constant 300 : i32
      %dma_start3A_595 = arith.constant 0 : i32
      %dma_start3A_596 = tpu.memref_slice %arg4[%add3A, %add3A_410, %dma_start3A_594, %dma_start3A_595] : memref<32x64x400x64xf32, #tpu.memory_space<hbm>> -> memref<1x1x50x64xf32, #tpu.memory_space<hbm>>
      %dma_start3A_597 = tpu.memref_squeeze %dma_start3A_596 : memref<1x1x50x64xf32, #tpu.memory_space<hbm>> -> memref<50x64xf32, #tpu.memory_space<hbm>>
      %dma_start3A_598 = arith.constant 300 : i32
      %dma_start3A_599 = arith.constant 0 : i32
      %dma_start3A_600 = tpu.memref_slice %arg4[%add3A, %add3A_410, %dma_start3A_598, %dma_start3A_599] : memref<32x64x400x64xf32, #tpu.memory_space<hbm>> -> memref<1x1x50x64xf32, #tpu.memory_space<hbm>>
      %dma_start3A_601 = tpu.memref_squeeze %dma_start3A_600 : memref<1x1x50x64xf32, #tpu.memory_space<hbm>> -> memref<50x64xf32, #tpu.memory_space<hbm>>
      %dma_start3A_602 = arith.constant 336 : i32
      %dma_start3A_603 = arith.constant 0 : i32
      %dma_start3A_604 = tpu.memref_slice %arg6[%dma_start3A_602, %dma_start3A_603] : memref<448x64xf32, #tpu.memory_space<vmem>> -> memref<50x64xf32, #tpu.memory_space<vmem>>
      tpu.enqueue_dma source(%dma_start3A_604 : memref<50x64xf32, #tpu.memory_space<vmem>>) target(%dma_start3A_601 : memref<50x64xf32, #tpu.memory_space<hbm>>) target_semaphore(%arg10 : memref<!tpu.dma_semaphore, #tpu.memory_space<semaphore_mem>>)
      %dma_start3A_605 = arith.constant 392 : i32
      %dma_start3A_606 = arith.constant 0 : i32
      %dma_start3A_607 = tpu.memref_slice %arg6[%dma_start3A_605, %dma_start3A_606] : memref<448x64xf32, #tpu.memory_space<vmem>> -> memref<50x64xf32, #tpu.memory_space<vmem>>
      %dma_start3A_608 = arith.constant 350 : i32
      %dma_start3A_609 = arith.constant 0 : i32
      %dma_start3A_610 = tpu.memref_slice %arg4[%add3A, %add3A_410, %dma_start3A_608, %dma_start3A_609] : memref<32x64x400x64xf32, #tpu.memory_space<hbm>> -> memref<1x1x50x64xf32, #tpu.memory_space<hbm>>
      %dma_start3A_611 = tpu.memref_squeeze %dma_start3A_610 : memref<1x1x50x64xf32, #tpu.memory_space<hbm>> -> memref<50x64xf32, #tpu.memory_space<hbm>>
      %dma_start3A_612 = arith.constant 350 : i32
      %dma_start3A_613 = arith.constant 0 : i32
      %dma_start3A_614 = tpu.memref_slice %arg4[%add3A, %add3A_410, %dma_start3A_612, %dma_start3A_613] : memref<32x64x400x64xf32, #tpu.memory_space<hbm>> -> memref<1x1x50x64xf32, #tpu.memory_space<hbm>>
      %dma_start3A_615 = tpu.memref_squeeze %dma_start3A_614 : memref<1x1x50x64xf32, #tpu.memory_space<hbm>> -> memref<50x64xf32, #tpu.memory_space<hbm>>
      %dma_start3A_616 = arith.constant 392 : i32
      %dma_start3A_617 = arith.constant 0 : i32
      %dma_start3A_618 = tpu.memref_slice %arg6[%dma_start3A_616, %dma_start3A_617] : memref<448x64xf32, #tpu.memory_space<vmem>> -> memref<50x64xf32, #tpu.memory_space<vmem>>
      tpu.enqueue_dma source(%dma_start3A_618 : memref<50x64xf32, #tpu.memory_space<vmem>>) target(%dma_start3A_615 : memref<50x64xf32, #tpu.memory_space<hbm>>) target_semaphore(%arg10 : memref<!tpu.dma_semaphore, #tpu.memory_space<semaphore_mem>>)
      %add3A_619 = arith.constant 2 : i32
      %add3A_620 = arith.addi %add3A_410, %add3A_619 : i32
      %lt3A = arith.constant 64 : i32
      %lt3A_621 = arith.cmpi slt, %add3A_620, %lt3A : i32
      %convert_element_type3A = arith.extui %lt3A_621 : i1 to i32
      %cond3A = arith.constant 0 : i32
      %cond3A_622 = arith.cmpi ne, %convert_element_type3A, %cond3A : i32
      scf.if %cond3A_622 {
        %dma_wait3A_840 = arith.constant 0 : i32
        %dma_wait3A_841 = arith.constant 0 : i32
        %dma_wait3A_842 = arith.constant 0 : i32
        %dma_wait3A_843 = tpu.memref_slice %arg6[%dma_wait3A_841, %dma_wait3A_842] : memref<448x64xf32, #tpu.memory_space<vmem>> -> memref<50x64xf32, #tpu.memory_space<vmem>>
        %dma_wait3A_844 = arith.constant 0 : i32
        %dma_wait3A_845 = arith.constant 0 : i32
        %dma_wait3A_846 = tpu.memref_slice %arg4[%add3A, %dma_wait3A_840, %dma_wait3A_844, %dma_wait3A_845] : memref<32x64x400x64xf32, #tpu.memory_space<hbm>> -> memref<1x1x50x64xf32, #tpu.memory_space<hbm>>
        %dma_wait3A_847 = tpu.memref_squeeze %dma_wait3A_846 : memref<1x1x50x64xf32, #tpu.memory_space<hbm>> -> memref<50x64xf32, #tpu.memory_space<hbm>>
        %dma_wait3A_848 = arith.constant 0 : i32
        %dma_wait3A_849 = arith.constant 0 : i32
        %dma_wait3A_850 = tpu.memref_slice %arg4[%add3A, %dma_wait3A_840, %dma_wait3A_848, %dma_wait3A_849] : memref<32x64x400x64xf32, #tpu.memory_space<hbm>> -> memref<1x1x50x64xf32, #tpu.memory_space<hbm>>
        %dma_wait3A_851 = tpu.memref_squeeze %dma_wait3A_850 : memref<1x1x50x64xf32, #tpu.memory_space<hbm>> -> memref<50x64xf32, #tpu.memory_space<hbm>>
        %dma_wait3A_852 = arith.constant 0 : i32
        %dma_wait3A_853 = arith.constant 0 : i32
        %dma_wait3A_854 = tpu.memref_slice %arg6[%dma_wait3A_852, %dma_wait3A_853] : memref<448x64xf32, #tpu.memory_space<vmem>> -> memref<50x64xf32, #tpu.memory_space<vmem>>
        tpu.wait_dma2 semaphore(%arg10 : memref<!tpu.dma_semaphore, #tpu.memory_space<semaphore_mem>>) src(%dma_wait3A_854 : memref<50x64xf32, #tpu.memory_space<vmem>>) dst(%dma_wait3A_851 : memref<50x64xf32, #tpu.memory_space<hbm>>)
        %dma_wait3A_855 = arith.constant 0 : i32
        %dma_wait3A_856 = arith.constant 0 : i32
        %dma_wait3A_857 = arith.constant 0 : i32
        %dma_wait3A_858 = tpu.memref_slice %arg6[%dma_wait3A_856, %dma_wait3A_857] : memref<448x64xf32, #tpu.memory_space<vmem>> -> memref<50x64xf32, #tpu.memory_space<vmem>>
        %dma_wait3A_859 = arith.constant 0 : i32
        %dma_wait3A_860 = arith.constant 0 : i32
        %dma_wait3A_861 = tpu.memref_slice %arg4[%add3A, %dma_wait3A_855, %dma_wait3A_859, %dma_wait3A_860] : memref<32x64x400x64xf32, #tpu.memory_space<hbm>> -> memref<1x1x50x64xf32, #tpu.memory_space<hbm>>
        %dma_wait3A_862 = tpu.memref_squeeze %dma_wait3A_861 : memref<1x1x50x64xf32, #tpu.memory_space<hbm>> -> memref<50x64xf32, #tpu.memory_space<hbm>>
        %dma_wait3A_863 = arith.constant 0 : i32
        %dma_wait3A_864 = arith.constant 0 : i32
        %dma_wait3A_865 = tpu.memref_slice %arg4[%add3A, %dma_wait3A_855, %dma_wait3A_863, %dma_wait3A_864] : memref<32x64x400x64xf32, #tpu.memory_space<hbm>> -> memref<1x1x50x64xf32, #tpu.memory_space<hbm>>
        %dma_wait3A_866 = tpu.memref_squeeze %dma_wait3A_865 : memref<1x1x50x64xf32, #tpu.memory_space<hbm>> -> memref<50x64xf32, #tpu.memory_space<hbm>>
        %dma_wait3A_867 = arith.constant 0 : i32
        %dma_wait3A_868 = arith.constant 0 : i32
        %dma_wait3A_869 = tpu.memref_slice %arg6[%dma_wait3A_867, %dma_wait3A_868] : memref<448x64xf32, #tpu.memory_space<vmem>> -> memref<50x64xf32, #tpu.memory_space<vmem>>
        tpu.wait_dma2 semaphore(%arg10 : memref<!tpu.dma_semaphore, #tpu.memory_space<semaphore_mem>>) src(%dma_wait3A_869 : memref<50x64xf32, #tpu.memory_space<vmem>>) dst(%dma_wait3A_866 : memref<50x64xf32, #tpu.memory_space<hbm>>)
        %dma_wait3A_870 = arith.constant 0 : i32
        %dma_wait3A_871 = arith.constant 0 : i32
        %dma_wait3A_872 = arith.constant 0 : i32
        %dma_wait3A_873 = tpu.memref_slice %arg6[%dma_wait3A_871, %dma_wait3A_872] : memref<448x64xf32, #tpu.memory_space<vmem>> -> memref<50x64xf32, #tpu.memory_space<vmem>>
        %dma_wait3A_874 = arith.constant 0 : i32
        %dma_wait3A_875 = arith.constant 0 : i32
        %dma_wait3A_876 = tpu.memref_slice %arg4[%add3A, %dma_wait3A_870, %dma_wait3A_874, %dma_wait3A_875] : memref<32x64x400x64xf32, #tpu.memory_space<hbm>> -> memref<1x1x50x64xf32, #tpu.memory_space<hbm>>
        %dma_wait3A_877 = tpu.memref_squeeze %dma_wait3A_876 : memref<1x1x50x64xf32, #tpu.memory_space<hbm>> -> memref<50x64xf32, #tpu.memory_space<hbm>>
        %dma_wait3A_878 = arith.constant 0 : i32
        %dma_wait3A_879 = arith.constant 0 : i32
        %dma_wait3A_880 = tpu.memref_slice %arg4[%add3A, %dma_wait3A_870, %dma_wait3A_878, %dma_wait3A_879] : memref<32x64x400x64xf32, #tpu.memory_space<hbm>> -> memref<1x1x50x64xf32, #tpu.memory_space<hbm>>
        %dma_wait3A_881 = tpu.memref_squeeze %dma_wait3A_880 : memref<1x1x50x64xf32, #tpu.memory_space<hbm>> -> memref<50x64xf32, #tpu.memory_space<hbm>>
        %dma_wait3A_882 = arith.constant 0 : i32
        %dma_wait3A_883 = arith.constant 0 : i32
        %dma_wait3A_884 = tpu.memref_slice %arg6[%dma_wait3A_882, %dma_wait3A_883] : memref<448x64xf32, #tpu.memory_space<vmem>> -> memref<50x64xf32, #tpu.memory_space<vmem>>
        tpu.wait_dma2 semaphore(%arg10 : memref<!tpu.dma_semaphore, #tpu.memory_space<semaphore_mem>>) src(%dma_wait3A_884 : memref<50x64xf32, #tpu.memory_space<vmem>>) dst(%dma_wait3A_881 : memref<50x64xf32, #tpu.memory_space<hbm>>)
        %dma_wait3A_885 = arith.constant 0 : i32
        %dma_wait3A_886 = arith.constant 0 : i32
        %dma_wait3A_887 = arith.constant 0 : i32
        %dma_wait3A_888 = tpu.memref_slice %arg6[%dma_wait3A_886, %dma_wait3A_887] : memref<448x64xf32, #tpu.memory_space<vmem>> -> memref<50x64xf32, #tpu.memory_space<vmem>>
        %dma_wait3A_889 = arith.constant 0 : i32
        %dma_wait3A_890 = arith.constant 0 : i32
        %dma_wait3A_891 = tpu.memref_slice %arg4[%add3A, %dma_wait3A_885, %dma_wait3A_889, %dma_wait3A_890] : memref<32x64x400x64xf32, #tpu.memory_space<hbm>> -> memref<1x1x50x64xf32, #tpu.memory_space<hbm>>
        %dma_wait3A_892 = tpu.memref_squeeze %dma_wait3A_891 : memref<1x1x50x64xf32, #tpu.memory_space<hbm>> -> memref<50x64xf32, #tpu.memory_space<hbm>>
        %dma_wait3A_893 = arith.constant 0 : i32
        %dma_wait3A_894 = arith.constant 0 : i32
        %dma_wait3A_895 = tpu.memref_slice %arg4[%add3A, %dma_wait3A_885, %dma_wait3A_893, %dma_wait3A_894] : memref<32x64x400x64xf32, #tpu.memory_space<hbm>> -> memref<1x1x50x64xf32, #tpu.memory_space<hbm>>
        %dma_wait3A_896 = tpu.memref_squeeze %dma_wait3A_895 : memref<1x1x50x64xf32, #tpu.memory_space<hbm>> -> memref<50x64xf32, #tpu.memory_space<hbm>>
        %dma_wait3A_897 = arith.constant 0 : i32
        %dma_wait3A_898 = arith.constant 0 : i32
        %dma_wait3A_899 = tpu.memref_slice %arg6[%dma_wait3A_897, %dma_wait3A_898] : memref<448x64xf32, #tpu.memory_space<vmem>> -> memref<50x64xf32, #tpu.memory_space<vmem>>
        tpu.wait_dma2 semaphore(%arg10 : memref<!tpu.dma_semaphore, #tpu.memory_space<semaphore_mem>>) src(%dma_wait3A_899 : memref<50x64xf32, #tpu.memory_space<vmem>>) dst(%dma_wait3A_896 : memref<50x64xf32, #tpu.memory_space<hbm>>)
        %dma_wait3A_900 = arith.constant 0 : i32
        %dma_wait3A_901 = arith.constant 0 : i32
        %dma_wait3A_902 = arith.constant 0 : i32
        %dma_wait3A_903 = tpu.memref_slice %arg6[%dma_wait3A_901, %dma_wait3A_902] : memref<448x64xf32, #tpu.memory_space<vmem>> -> memref<50x64xf32, #tpu.memory_space<vmem>>
        %dma_wait3A_904 = arith.constant 0 : i32
        %dma_wait3A_905 = arith.constant 0 : i32
        %dma_wait3A_906 = tpu.memref_slice %arg4[%add3A, %dma_wait3A_900, %dma_wait3A_904, %dma_wait3A_905] : memref<32x64x400x64xf32, #tpu.memory_space<hbm>> -> memref<1x1x50x64xf32, #tpu.memory_space<hbm>>
        %dma_wait3A_907 = tpu.memref_squeeze %dma_wait3A_906 : memref<1x1x50x64xf32, #tpu.memory_space<hbm>> -> memref<50x64xf32, #tpu.memory_space<hbm>>
        %dma_wait3A_908 = arith.constant 0 : i32
        %dma_wait3A_909 = arith.constant 0 : i32
        %dma_wait3A_910 = tpu.memref_slice %arg4[%add3A, %dma_wait3A_900, %dma_wait3A_908, %dma_wait3A_909] : memref<32x64x400x64xf32, #tpu.memory_space<hbm>> -> memref<1x1x50x64xf32, #tpu.memory_space<hbm>>
        %dma_wait3A_911 = tpu.memref_squeeze %dma_wait3A_910 : memref<1x1x50x64xf32, #tpu.memory_space<hbm>> -> memref<50x64xf32, #tpu.memory_space<hbm>>
        %dma_wait3A_912 = arith.constant 0 : i32
        %dma_wait3A_913 = arith.constant 0 : i32
        %dma_wait3A_914 = tpu.memref_slice %arg6[%dma_wait3A_912, %dma_wait3A_913] : memref<448x64xf32, #tpu.memory_space<vmem>> -> memref<50x64xf32, #tpu.memory_space<vmem>>
        tpu.wait_dma2 semaphore(%arg10 : memref<!tpu.dma_semaphore, #tpu.memory_space<semaphore_mem>>) src(%dma_wait3A_914 : memref<50x64xf32, #tpu.memory_space<vmem>>) dst(%dma_wait3A_911 : memref<50x64xf32, #tpu.memory_space<hbm>>)
        %dma_wait3A_915 = arith.constant 0 : i32
        %dma_wait3A_916 = arith.constant 0 : i32
        %dma_wait3A_917 = arith.constant 0 : i32
        %dma_wait3A_918 = tpu.memref_slice %arg6[%dma_wait3A_916, %dma_wait3A_917] : memref<448x64xf32, #tpu.memory_space<vmem>> -> memref<50x64xf32, #tpu.memory_space<vmem>>
        %dma_wait3A_919 = arith.constant 0 : i32
        %dma_wait3A_920 = arith.constant 0 : i32
        %dma_wait3A_921 = tpu.memref_slice %arg4[%add3A, %dma_wait3A_915, %dma_wait3A_919, %dma_wait3A_920] : memref<32x64x400x64xf32, #tpu.memory_space<hbm>> -> memref<1x1x50x64xf32, #tpu.memory_space<hbm>>
        %dma_wait3A_922 = tpu.memref_squeeze %dma_wait3A_921 : memref<1x1x50x64xf32, #tpu.memory_space<hbm>> -> memref<50x64xf32, #tpu.memory_space<hbm>>
        %dma_wait3A_923 = arith.constant 0 : i32
        %dma_wait3A_924 = arith.constant 0 : i32
        %dma_wait3A_925 = tpu.memref_slice %arg4[%add3A, %dma_wait3A_915, %dma_wait3A_923, %dma_wait3A_924] : memref<32x64x400x64xf32, #tpu.memory_space<hbm>> -> memref<1x1x50x64xf32, #tpu.memory_space<hbm>>
        %dma_wait3A_926 = tpu.memref_squeeze %dma_wait3A_925 : memref<1x1x50x64xf32, #tpu.memory_space<hbm>> -> memref<50x64xf32, #tpu.memory_space<hbm>>
        %dma_wait3A_927 = arith.constant 0 : i32
        %dma_wait3A_928 = arith.constant 0 : i32
        %dma_wait3A_929 = tpu.memref_slice %arg6[%dma_wait3A_927, %dma_wait3A_928] : memref<448x64xf32, #tpu.memory_space<vmem>> -> memref<50x64xf32, #tpu.memory_space<vmem>>
        tpu.wait_dma2 semaphore(%arg10 : memref<!tpu.dma_semaphore, #tpu.memory_space<semaphore_mem>>) src(%dma_wait3A_929 : memref<50x64xf32, #tpu.memory_space<vmem>>) dst(%dma_wait3A_926 : memref<50x64xf32, #tpu.memory_space<hbm>>)
        %dma_wait3A_930 = arith.constant 0 : i32
        %dma_wait3A_931 = arith.constant 0 : i32
        %dma_wait3A_932 = arith.constant 0 : i32
        %dma_wait3A_933 = tpu.memref_slice %arg6[%dma_wait3A_931, %dma_wait3A_932] : memref<448x64xf32, #tpu.memory_space<vmem>> -> memref<50x64xf32, #tpu.memory_space<vmem>>
        %dma_wait3A_934 = arith.constant 0 : i32
        %dma_wait3A_935 = arith.constant 0 : i32
        %dma_wait3A_936 = tpu.memref_slice %arg4[%add3A, %dma_wait3A_930, %dma_wait3A_934, %dma_wait3A_935] : memref<32x64x400x64xf32, #tpu.memory_space<hbm>> -> memref<1x1x50x64xf32, #tpu.memory_space<hbm>>
        %dma_wait3A_937 = tpu.memref_squeeze %dma_wait3A_936 : memref<1x1x50x64xf32, #tpu.memory_space<hbm>> -> memref<50x64xf32, #tpu.memory_space<hbm>>
        %dma_wait3A_938 = arith.constant 0 : i32
        %dma_wait3A_939 = arith.constant 0 : i32
        %dma_wait3A_940 = tpu.memref_slice %arg4[%add3A, %dma_wait3A_930, %dma_wait3A_938, %dma_wait3A_939] : memref<32x64x400x64xf32, #tpu.memory_space<hbm>> -> memref<1x1x50x64xf32, #tpu.memory_space<hbm>>
        %dma_wait3A_941 = tpu.memref_squeeze %dma_wait3A_940 : memref<1x1x50x64xf32, #tpu.memory_space<hbm>> -> memref<50x64xf32, #tpu.memory_space<hbm>>
        %dma_wait3A_942 = arith.constant 0 : i32
        %dma_wait3A_943 = arith.constant 0 : i32
        %dma_wait3A_944 = tpu.memref_slice %arg6[%dma_wait3A_942, %dma_wait3A_943] : memref<448x64xf32, #tpu.memory_space<vmem>> -> memref<50x64xf32, #tpu.memory_space<vmem>>
        tpu.wait_dma2 semaphore(%arg10 : memref<!tpu.dma_semaphore, #tpu.memory_space<semaphore_mem>>) src(%dma_wait3A_944 : memref<50x64xf32, #tpu.memory_space<vmem>>) dst(%dma_wait3A_941 : memref<50x64xf32, #tpu.memory_space<hbm>>)
        %dma_wait3A_945 = arith.constant 0 : i32
        %dma_wait3A_946 = arith.constant 0 : i32
        %dma_wait3A_947 = arith.constant 0 : i32
        %dma_wait3A_948 = tpu.memref_slice %arg6[%dma_wait3A_946, %dma_wait3A_947] : memref<448x64xf32, #tpu.memory_space<vmem>> -> memref<50x64xf32, #tpu.memory_space<vmem>>
        %dma_wait3A_949 = arith.constant 0 : i32
        %dma_wait3A_950 = arith.constant 0 : i32
        %dma_wait3A_951 = tpu.memref_slice %arg4[%add3A, %dma_wait3A_945, %dma_wait3A_949, %dma_wait3A_950] : memref<32x64x400x64xf32, #tpu.memory_space<hbm>> -> memref<1x1x50x64xf32, #tpu.memory_space<hbm>>
        %dma_wait3A_952 = tpu.memref_squeeze %dma_wait3A_951 : memref<1x1x50x64xf32, #tpu.memory_space<hbm>> -> memref<50x64xf32, #tpu.memory_space<hbm>>
        %dma_wait3A_953 = arith.constant 0 : i32
        %dma_wait3A_954 = arith.constant 0 : i32
        %dma_wait3A_955 = tpu.memref_slice %arg4[%add3A, %dma_wait3A_945, %dma_wait3A_953, %dma_wait3A_954] : memref<32x64x400x64xf32, #tpu.memory_space<hbm>> -> memref<1x1x50x64xf32, #tpu.memory_space<hbm>>
        %dma_wait3A_956 = tpu.memref_squeeze %dma_wait3A_955 : memref<1x1x50x64xf32, #tpu.memory_space<hbm>> -> memref<50x64xf32, #tpu.memory_space<hbm>>
        %dma_wait3A_957 = arith.constant 0 : i32
        %dma_wait3A_958 = arith.constant 0 : i32
        %dma_wait3A_959 = tpu.memref_slice %arg6[%dma_wait3A_957, %dma_wait3A_958] : memref<448x64xf32, #tpu.memory_space<vmem>> -> memref<50x64xf32, #tpu.memory_space<vmem>>
        tpu.wait_dma2 semaphore(%arg10 : memref<!tpu.dma_semaphore, #tpu.memory_space<semaphore_mem>>) src(%dma_wait3A_959 : memref<50x64xf32, #tpu.memory_space<vmem>>) dst(%dma_wait3A_956 : memref<50x64xf32, #tpu.memory_space<hbm>>)
        %add3A_960 = arith.constant 2 : i32
        %add3A_961 = arith.addi %add3A_410, %add3A_960 : i32
        %mul3A_962 = arith.constant 8 : i32
        %mul3A_963 = arith.muli %add3A_961, %mul3A_962 : i32
        %add3A_964 = arith.constant 0 : i32
        %add3A_965 = arith.addi %mul3A_963, %add3A_964 : i32
        %dma_start3A_966 = arith.constant 0 : i32
        %dma_start3A_967 = arith.constant 0 : i32
        %dma_start3A_968 = tpu.memref_slice %arg6[%dma_start3A_966, %dma_start3A_967] : memref<448x64xf32, #tpu.memory_space<vmem>> -> memref<56x64xf32, #tpu.memory_space<vmem>>
        %dma_start3A_969 = arith.constant 0 : i32
        %dma_start3A_970 = tpu.memref_slice %arg5[%add3A_965, %dma_start3A_969] : memref<512x128xi32, #tpu.memory_space<vmem>> -> memref<1x56xi32, #tpu.memory_space<vmem>>
        %dma_start3A_971 = tpu.memref_squeeze %dma_start3A_970 : memref<1x56xi32, #tpu.memory_space<vmem>> -> memref<56xi32, #tpu.memory_space<vmem>>
        %dma_start3A_972 = arith.constant 0 : i32
        %dma_start3A_973 = arith.constant 0 : i32
        %dma_start3A_974 = tpu.memref_slice %arg3[%dma_start3A_972, %dma_start3A_973] : memref<1000000x64xf32, #tpu.memory_space<hbm>> -> memref<1000000x64xf32, #tpu.memory_space<hbm>>
        tpu.enqueue_indirect_dma source(%dma_start3A_974 : memref<1000000x64xf32, #tpu.memory_space<hbm>>) target(%dma_start3A_968 : memref<56x64xf32, #tpu.memory_space<vmem>>) offsets(%dma_start3A_971 : memref<56xi32, #tpu.memory_space<vmem>>) semaphore(%arg8 : memref<!tpu.dma_semaphore, #tpu.memory_space<semaphore_mem>>)
        %mul3A_975 = arith.constant 8 : i32
        %mul3A_976 = arith.muli %add3A_961, %mul3A_975 : i32
        %add3A_977 = arith.constant 1 : i32
        %add3A_978 = arith.addi %mul3A_976, %add3A_977 : i32
        %dma_start3A_979 = arith.constant 56 : i32
        %dma_start3A_980 = arith.constant 0 : i32
        %dma_start3A_981 = tpu.memref_slice %arg6[%dma_start3A_979, %dma_start3A_980] : memref<448x64xf32, #tpu.memory_space<vmem>> -> memref<56x64xf32, #tpu.memory_space<vmem>>
        %dma_start3A_982 = arith.constant 0 : i32
        %dma_start3A_983 = tpu.memref_slice %arg5[%add3A_978, %dma_start3A_982] : memref<512x128xi32, #tpu.memory_space<vmem>> -> memref<1x56xi32, #tpu.memory_space<vmem>>
        %dma_start3A_984 = tpu.memref_squeeze %dma_start3A_983 : memref<1x56xi32, #tpu.memory_space<vmem>> -> memref<56xi32, #tpu.memory_space<vmem>>
        %dma_start3A_985 = arith.constant 0 : i32
        %dma_start3A_986 = arith.constant 0 : i32
        %dma_start3A_987 = tpu.memref_slice %arg3[%dma_start3A_985, %dma_start3A_986] : memref<1000000x64xf32, #tpu.memory_space<hbm>> -> memref<1000000x64xf32, #tpu.memory_space<hbm>>
        tpu.enqueue_indirect_dma source(%dma_start3A_987 : memref<1000000x64xf32, #tpu.memory_space<hbm>>) target(%dma_start3A_981 : memref<56x64xf32, #tpu.memory_space<vmem>>) offsets(%dma_start3A_984 : memref<56xi32, #tpu.memory_space<vmem>>) semaphore(%arg8 : memref<!tpu.dma_semaphore, #tpu.memory_space<semaphore_mem>>)
        %mul3A_988 = arith.constant 8 : i32
        %mul3A_989 = arith.muli %add3A_961, %mul3A_988 : i32
        %add3A_990 = arith.constant 2 : i32
        %add3A_991 = arith.addi %mul3A_989, %add3A_990 : i32
        %dma_start3A_992 = arith.constant 112 : i32
        %dma_start3A_993 = arith.constant 0 : i32
        %dma_start3A_994 = tpu.memref_slice %arg6[%dma_start3A_992, %dma_start3A_993] : memref<448x64xf32, #tpu.memory_space<vmem>> -> memref<56x64xf32, #tpu.memory_space<vmem>>
        %dma_start3A_995 = arith.constant 0 : i32
        %dma_start3A_996 = tpu.memref_slice %arg5[%add3A_991, %dma_start3A_995] : memref<512x128xi32, #tpu.memory_space<vmem>> -> memref<1x56xi32, #tpu.memory_space<vmem>>
        %dma_start3A_997 = tpu.memref_squeeze %dma_start3A_996 : memref<1x56xi32, #tpu.memory_space<vmem>> -> memref<56xi32, #tpu.memory_space<vmem>>
        %dma_start3A_998 = arith.constant 0 : i32
        %dma_start3A_999 = arith.constant 0 : i32
        %dma_start3A_1000 = tpu.memref_slice %arg3[%dma_start3A_998, %dma_start3A_999] : memref<1000000x64xf32, #tpu.memory_space<hbm>> -> memref<1000000x64xf32, #tpu.memory_space<hbm>>
        tpu.enqueue_indirect_dma source(%dma_start3A_1000 : memref<1000000x64xf32, #tpu.memory_space<hbm>>) target(%dma_start3A_994 : memref<56x64xf32, #tpu.memory_space<vmem>>) offsets(%dma_start3A_997 : memref<56xi32, #tpu.memory_space<vmem>>) semaphore(%arg8 : memref<!tpu.dma_semaphore, #tpu.memory_space<semaphore_mem>>)
        %mul3A_1001 = arith.constant 8 : i32
        %mul3A_1002 = arith.muli %add3A_961, %mul3A_1001 : i32
        %add3A_1003 = arith.constant 3 : i32
        %add3A_1004 = arith.addi %mul3A_1002, %add3A_1003 : i32
        %dma_start3A_1005 = arith.constant 168 : i32
        %dma_start3A_1006 = arith.constant 0 : i32
        %dma_start3A_1007 = tpu.memref_slice %arg6[%dma_start3A_1005, %dma_start3A_1006] : memref<448x64xf32, #tpu.memory_space<vmem>> -> memref<56x64xf32, #tpu.memory_space<vmem>>
        %dma_start3A_1008 = arith.constant 0 : i32
        %dma_start3A_1009 = tpu.memref_slice %arg5[%add3A_1004, %dma_start3A_1008] : memref<512x128xi32, #tpu.memory_space<vmem>> -> memref<1x56xi32, #tpu.memory_space<vmem>>
        %dma_start3A_1010 = tpu.memref_squeeze %dma_start3A_1009 : memref<1x56xi32, #tpu.memory_space<vmem>> -> memref<56xi32, #tpu.memory_space<vmem>>
        %dma_start3A_1011 = arith.constant 0 : i32
        %dma_start3A_1012 = arith.constant 0 : i32
        %dma_start3A_1013 = tpu.memref_slice %arg3[%dma_start3A_1011, %dma_start3A_1012] : memref<1000000x64xf32, #tpu.memory_space<hbm>> -> memref<1000000x64xf32, #tpu.memory_space<hbm>>
        tpu.enqueue_indirect_dma source(%dma_start3A_1013 : memref<1000000x64xf32, #tpu.memory_space<hbm>>) target(%dma_start3A_1007 : memref<56x64xf32, #tpu.memory_space<vmem>>) offsets(%dma_start3A_1010 : memref<56xi32, #tpu.memory_space<vmem>>) semaphore(%arg8 : memref<!tpu.dma_semaphore, #tpu.memory_space<semaphore_mem>>)
        %mul3A_1014 = arith.constant 8 : i32
        %mul3A_1015 = arith.muli %add3A_961, %mul3A_1014 : i32
        %add3A_1016 = arith.constant 4 : i32
        %add3A_1017 = arith.addi %mul3A_1015, %add3A_1016 : i32
        %dma_start3A_1018 = arith.constant 224 : i32
        %dma_start3A_1019 = arith.constant 0 : i32
        %dma_start3A_1020 = tpu.memref_slice %arg6[%dma_start3A_1018, %dma_start3A_1019] : memref<448x64xf32, #tpu.memory_space<vmem>> -> memref<56x64xf32, #tpu.memory_space<vmem>>
        %dma_start3A_1021 = arith.constant 0 : i32
        %dma_start3A_1022 = tpu.memref_slice %arg5[%add3A_1017, %dma_start3A_1021] : memref<512x128xi32, #tpu.memory_space<vmem>> -> memref<1x56xi32, #tpu.memory_space<vmem>>
        %dma_start3A_1023 = tpu.memref_squeeze %dma_start3A_1022 : memref<1x56xi32, #tpu.memory_space<vmem>> -> memref<56xi32, #tpu.memory_space<vmem>>
        %dma_start3A_1024 = arith.constant 0 : i32
        %dma_start3A_1025 = arith.constant 0 : i32
        %dma_start3A_1026 = tpu.memref_slice %arg3[%dma_start3A_1024, %dma_start3A_1025] : memref<1000000x64xf32, #tpu.memory_space<hbm>> -> memref<1000000x64xf32, #tpu.memory_space<hbm>>
        tpu.enqueue_indirect_dma source(%dma_start3A_1026 : memref<1000000x64xf32, #tpu.memory_space<hbm>>) target(%dma_start3A_1020 : memref<56x64xf32, #tpu.memory_space<vmem>>) offsets(%dma_start3A_1023 : memref<56xi32, #tpu.memory_space<vmem>>) semaphore(%arg8 : memref<!tpu.dma_semaphore, #tpu.memory_space<semaphore_mem>>)
        %mul3A_1027 = arith.constant 8 : i32
        %mul3A_1028 = arith.muli %add3A_961, %mul3A_1027 : i32
        %add3A_1029 = arith.constant 5 : i32
        %add3A_1030 = arith.addi %mul3A_1028, %add3A_1029 : i32
        %dma_start3A_1031 = arith.constant 280 : i32
        %dma_start3A_1032 = arith.constant 0 : i32
        %dma_start3A_1033 = tpu.memref_slice %arg6[%dma_start3A_1031, %dma_start3A_1032] : memref<448x64xf32, #tpu.memory_space<vmem>> -> memref<56x64xf32, #tpu.memory_space<vmem>>
        %dma_start3A_1034 = arith.constant 0 : i32
        %dma_start3A_1035 = tpu.memref_slice %arg5[%add3A_1030, %dma_start3A_1034] : memref<512x128xi32, #tpu.memory_space<vmem>> -> memref<1x56xi32, #tpu.memory_space<vmem>>
        %dma_start3A_1036 = tpu.memref_squeeze %dma_start3A_1035 : memref<1x56xi32, #tpu.memory_space<vmem>> -> memref<56xi32, #tpu.memory_space<vmem>>
        %dma_start3A_1037 = arith.constant 0 : i32
        %dma_start3A_1038 = arith.constant 0 : i32
        %dma_start3A_1039 = tpu.memref_slice %arg3[%dma_start3A_1037, %dma_start3A_1038] : memref<1000000x64xf32, #tpu.memory_space<hbm>> -> memref<1000000x64xf32, #tpu.memory_space<hbm>>
        tpu.enqueue_indirect_dma source(%dma_start3A_1039 : memref<1000000x64xf32, #tpu.memory_space<hbm>>) target(%dma_start3A_1033 : memref<56x64xf32, #tpu.memory_space<vmem>>) offsets(%dma_start3A_1036 : memref<56xi32, #tpu.memory_space<vmem>>) semaphore(%arg8 : memref<!tpu.dma_semaphore, #tpu.memory_space<semaphore_mem>>)
        %mul3A_1040 = arith.constant 8 : i32
        %mul3A_1041 = arith.muli %add3A_961, %mul3A_1040 : i32
        %add3A_1042 = arith.constant 6 : i32
        %add3A_1043 = arith.addi %mul3A_1041, %add3A_1042 : i32
        %dma_start3A_1044 = arith.constant 336 : i32
        %dma_start3A_1045 = arith.constant 0 : i32
        %dma_start3A_1046 = tpu.memref_slice %arg6[%dma_start3A_1044, %dma_start3A_1045] : memref<448x64xf32, #tpu.memory_space<vmem>> -> memref<56x64xf32, #tpu.memory_space<vmem>>
        %dma_start3A_1047 = arith.constant 0 : i32
        %dma_start3A_1048 = tpu.memref_slice %arg5[%add3A_1043, %dma_start3A_1047] : memref<512x128xi32, #tpu.memory_space<vmem>> -> memref<1x56xi32, #tpu.memory_space<vmem>>
        %dma_start3A_1049 = tpu.memref_squeeze %dma_start3A_1048 : memref<1x56xi32, #tpu.memory_space<vmem>> -> memref<56xi32, #tpu.memory_space<vmem>>
        %dma_start3A_1050 = arith.constant 0 : i32
        %dma_start3A_1051 = arith.constant 0 : i32
        %dma_start3A_1052 = tpu.memref_slice %arg3[%dma_start3A_1050, %dma_start3A_1051] : memref<1000000x64xf32, #tpu.memory_space<hbm>> -> memref<1000000x64xf32, #tpu.memory_space<hbm>>
        tpu.enqueue_indirect_dma source(%dma_start3A_1052 : memref<1000000x64xf32, #tpu.memory_space<hbm>>) target(%dma_start3A_1046 : memref<56x64xf32, #tpu.memory_space<vmem>>) offsets(%dma_start3A_1049 : memref<56xi32, #tpu.memory_space<vmem>>) semaphore(%arg8 : memref<!tpu.dma_semaphore, #tpu.memory_space<semaphore_mem>>)
        %mul3A_1053 = arith.constant 8 : i32
        %mul3A_1054 = arith.muli %add3A_961, %mul3A_1053 : i32
        %add3A_1055 = arith.constant 7 : i32
        %add3A_1056 = arith.addi %mul3A_1054, %add3A_1055 : i32
        %dma_start3A_1057 = arith.constant 392 : i32
        %dma_start3A_1058 = arith.constant 0 : i32
        %dma_start3A_1059 = tpu.memref_slice %arg6[%dma_start3A_1057, %dma_start3A_1058] : memref<448x64xf32, #tpu.memory_space<vmem>> -> memref<56x64xf32, #tpu.memory_space<vmem>>
        %dma_start3A_1060 = arith.constant 0 : i32
        %dma_start3A_1061 = tpu.memref_slice %arg5[%add3A_1056, %dma_start3A_1060] : memref<512x128xi32, #tpu.memory_space<vmem>> -> memref<1x56xi32, #tpu.memory_space<vmem>>
        %dma_start3A_1062 = tpu.memref_squeeze %dma_start3A_1061 : memref<1x56xi32, #tpu.memory_space<vmem>> -> memref<56xi32, #tpu.memory_space<vmem>>
        %dma_start3A_1063 = arith.constant 0 : i32
        %dma_start3A_1064 = arith.constant 0 : i32
        %dma_start3A_1065 = tpu.memref_slice %arg3[%dma_start3A_1063, %dma_start3A_1064] : memref<1000000x64xf32, #tpu.memory_space<hbm>> -> memref<1000000x64xf32, #tpu.memory_space<hbm>>
        tpu.enqueue_indirect_dma source(%dma_start3A_1065 : memref<1000000x64xf32, #tpu.memory_space<hbm>>) target(%dma_start3A_1059 : memref<56x64xf32, #tpu.memory_space<vmem>>) offsets(%dma_start3A_1062 : memref<56xi32, #tpu.memory_space<vmem>>) semaphore(%arg8 : memref<!tpu.dma_semaphore, #tpu.memory_space<semaphore_mem>>)
      } else {
      }
      %add3A_623 = arith.constant 1 : i32
      %add3A_624 = arith.addi %mul3A_408, %add3A_623 : i32
      %dma_wait3A_625 = arith.constant 0 : i32
      %dma_wait3A_626 = arith.constant 0 : i32
      %dma_wait3A_627 = tpu.memref_slice %arg7[%dma_wait3A_625, %dma_wait3A_626] : memref<448x64xf32, #tpu.memory_space<vmem>> -> memref<56x64xf32, #tpu.memory_space<vmem>>
      %dma_wait3A_628 = arith.constant 0 : i32
      %dma_wait3A_629 = arith.constant 0 : i32
      %dma_wait3A_630 = tpu.memref_slice %arg3[%dma_wait3A_628, %dma_wait3A_629] : memref<1000000x64xf32, #tpu.memory_space<hbm>> -> memref<56x64xf32, #tpu.memory_space<hbm>>
      %dma_wait3A_631 = arith.constant 0 : i32
      %dma_wait3A_632 = arith.constant 0 : i32
      %dma_wait3A_633 = tpu.memref_slice %arg7[%dma_wait3A_631, %dma_wait3A_632] : memref<448x64xf32, #tpu.memory_space<vmem>> -> memref<56x64xf32, #tpu.memory_space<vmem>>
      %dma_wait3A_634 = arith.constant 0 : i32
      %dma_wait3A_635 = arith.constant 0 : i32
      %dma_wait3A_636 = tpu.memref_slice %arg3[%dma_wait3A_634, %dma_wait3A_635] : memref<1000000x64xf32, #tpu.memory_space<hbm>> -> memref<56x64xf32, #tpu.memory_space<hbm>>
      tpu.wait_dma2 semaphore(%arg9 : memref<!tpu.dma_semaphore, #tpu.memory_space<semaphore_mem>>) src(%dma_wait3A_636 : memref<56x64xf32, #tpu.memory_space<hbm>>) dst(%dma_wait3A_633 : memref<56x64xf32, #tpu.memory_space<vmem>>)
      %dma_wait3A_637 = arith.constant 0 : i32
      %dma_wait3A_638 = arith.constant 0 : i32
      %dma_wait3A_639 = tpu.memref_slice %arg7[%dma_wait3A_637, %dma_wait3A_638] : memref<448x64xf32, #tpu.memory_space<vmem>> -> memref<56x64xf32, #tpu.memory_space<vmem>>
      %dma_wait3A_640 = arith.constant 0 : i32
      %dma_wait3A_641 = arith.constant 0 : i32
      %dma_wait3A_642 = tpu.memref_slice %arg3[%dma_wait3A_640, %dma_wait3A_641] : memref<1000000x64xf32, #tpu.memory_space<hbm>> -> memref<56x64xf32, #tpu.memory_space<hbm>>
      %dma_wait3A_643 = arith.constant 0 : i32
      %dma_wait3A_644 = arith.constant 0 : i32
      %dma_wait3A_645 = tpu.memref_slice %arg7[%dma_wait3A_643, %dma_wait3A_644] : memref<448x64xf32, #tpu.memory_space<vmem>> -> memref<56x64xf32, #tpu.memory_space<vmem>>
      %dma_wait3A_646 = arith.constant 0 : i32
      %dma_wait3A_647 = arith.constant 0 : i32
      %dma_wait3A_648 = tpu.memref_slice %arg3[%dma_wait3A_646, %dma_wait3A_647] : memref<1000000x64xf32, #tpu.memory_space<hbm>> -> memref<56x64xf32, #tpu.memory_space<hbm>>
      tpu.wait_dma2 semaphore(%arg9 : memref<!tpu.dma_semaphore, #tpu.memory_space<semaphore_mem>>) src(%dma_wait3A_648 : memref<56x64xf32, #tpu.memory_space<hbm>>) dst(%dma_wait3A_645 : memref<56x64xf32, #tpu.memory_space<vmem>>)
      %dma_wait3A_649 = arith.constant 0 : i32
      %dma_wait3A_650 = arith.constant 0 : i32
      %dma_wait3A_651 = tpu.memref_slice %arg7[%dma_wait3A_649, %dma_wait3A_650] : memref<448x64xf32, #tpu.memory_space<vmem>> -> memref<56x64xf32, #tpu.memory_space<vmem>>
      %dma_wait3A_652 = arith.constant 0 : i32
      %dma_wait3A_653 = arith.constant 0 : i32
      %dma_wait3A_654 = tpu.memref_slice %arg3[%dma_wait3A_652, %dma_wait3A_653] : memref<1000000x64xf32, #tpu.memory_space<hbm>> -> memref<56x64xf32, #tpu.memory_space<hbm>>
      %dma_wait3A_655 = arith.constant 0 : i32
      %dma_wait3A_656 = arith.constant 0 : i32
      %dma_wait3A_657 = tpu.memref_slice %arg7[%dma_wait3A_655, %dma_wait3A_656] : memref<448x64xf32, #tpu.memory_space<vmem>> -> memref<56x64xf32, #tpu.memory_space<vmem>>
      %dma_wait3A_658 = arith.constant 0 : i32
      %dma_wait3A_659 = arith.constant 0 : i32
      %dma_wait3A_660 = tpu.memref_slice %arg3[%dma_wait3A_658, %dma_wait3A_659] : memref<1000000x64xf32, #tpu.memory_space<hbm>> -> memref<56x64xf32, #tpu.memory_space<hbm>>
      tpu.wait_dma2 semaphore(%arg9 : memref<!tpu.dma_semaphore, #tpu.memory_space<semaphore_mem>>) src(%dma_wait3A_660 : memref<56x64xf32, #tpu.memory_space<hbm>>) dst(%dma_wait3A_657 : memref<56x64xf32, #tpu.memory_space<vmem>>)
      %dma_wait3A_661 = arith.constant 0 : i32
      %dma_wait3A_662 = arith.constant 0 : i32
      %dma_wait3A_663 = tpu.memref_slice %arg7[%dma_wait3A_661, %dma_wait3A_662] : memref<448x64xf32, #tpu.memory_space<vmem>> -> memref<56x64xf32, #tpu.memory_space<vmem>>
      %dma_wait3A_664 = arith.constant 0 : i32
      %dma_wait3A_665 = arith.constant 0 : i32
      %dma_wait3A_666 = tpu.memref_slice %arg3[%dma_wait3A_664, %dma_wait3A_665] : memref<1000000x64xf32, #tpu.memory_space<hbm>> -> memref<56x64xf32, #tpu.memory_space<hbm>>
      %dma_wait3A_667 = arith.constant 0 : i32
      %dma_wait3A_668 = arith.constant 0 : i32
      %dma_wait3A_669 = tpu.memref_slice %arg7[%dma_wait3A_667, %dma_wait3A_668] : memref<448x64xf32, #tpu.memory_space<vmem>> -> memref<56x64xf32, #tpu.memory_space<vmem>>
      %dma_wait3A_670 = arith.constant 0 : i32
      %dma_wait3A_671 = arith.constant 0 : i32
      %dma_wait3A_672 = tpu.memref_slice %arg3[%dma_wait3A_670, %dma_wait3A_671] : memref<1000000x64xf32, #tpu.memory_space<hbm>> -> memref<56x64xf32, #tpu.memory_space<hbm>>
      tpu.wait_dma2 semaphore(%arg9 : memref<!tpu.dma_semaphore, #tpu.memory_space<semaphore_mem>>) src(%dma_wait3A_672 : memref<56x64xf32, #tpu.memory_space<hbm>>) dst(%dma_wait3A_669 : memref<56x64xf32, #tpu.memory_space<vmem>>)
      %dma_wait3A_673 = arith.constant 0 : i32
      %dma_wait3A_674 = arith.constant 0 : i32
      %dma_wait3A_675 = tpu.memref_slice %arg7[%dma_wait3A_673, %dma_wait3A_674] : memref<448x64xf32, #tpu.memory_space<vmem>> -> memref<56x64xf32, #tpu.memory_space<vmem>>
      %dma_wait3A_676 = arith.constant 0 : i32
      %dma_wait3A_677 = arith.constant 0 : i32
      %dma_wait3A_678 = tpu.memref_slice %arg3[%dma_wait3A_676, %dma_wait3A_677] : memref<1000000x64xf32, #tpu.memory_space<hbm>> -> memref<56x64xf32, #tpu.memory_space<hbm>>
      %dma_wait3A_679 = arith.constant 0 : i32
      %dma_wait3A_680 = arith.constant 0 : i32
      %dma_wait3A_681 = tpu.memref_slice %arg7[%dma_wait3A_679, %dma_wait3A_680] : memref<448x64xf32, #tpu.memory_space<vmem>> -> memref<56x64xf32, #tpu.memory_space<vmem>>
      %dma_wait3A_682 = arith.constant 0 : i32
      %dma_wait3A_683 = arith.constant 0 : i32
      %dma_wait3A_684 = tpu.memref_slice %arg3[%dma_wait3A_682, %dma_wait3A_683] : memref<1000000x64xf32, #tpu.memory_space<hbm>> -> memref<56x64xf32, #tpu.memory_space<hbm>>
      tpu.wait_dma2 semaphore(%arg9 : memref<!tpu.dma_semaphore, #tpu.memory_space<semaphore_mem>>) src(%dma_wait3A_684 : memref<56x64xf32, #tpu.memory_space<hbm>>) dst(%dma_wait3A_681 : memref<56x64xf32, #tpu.memory_space<vmem>>)
      %dma_wait3A_685 = arith.constant 0 : i32
      %dma_wait3A_686 = arith.constant 0 : i32
      %dma_wait3A_687 = tpu.memref_slice %arg7[%dma_wait3A_685, %dma_wait3A_686] : memref<448x64xf32, #tpu.memory_space<vmem>> -> memref<56x64xf32, #tpu.memory_space<vmem>>
      %dma_wait3A_688 = arith.constant 0 : i32
      %dma_wait3A_689 = arith.constant 0 : i32
      %dma_wait3A_690 = tpu.memref_slice %arg3[%dma_wait3A_688, %dma_wait3A_689] : memref<1000000x64xf32, #tpu.memory_space<hbm>> -> memref<56x64xf32, #tpu.memory_space<hbm>>
      %dma_wait3A_691 = arith.constant 0 : i32
      %dma_wait3A_692 = arith.constant 0 : i32
      %dma_wait3A_693 = tpu.memref_slice %arg7[%dma_wait3A_691, %dma_wait3A_692] : memref<448x64xf32, #tpu.memory_space<vmem>> -> memref<56x64xf32, #tpu.memory_space<vmem>>
      %dma_wait3A_694 = arith.constant 0 : i32
      %dma_wait3A_695 = arith.constant 0 : i32
      %dma_wait3A_696 = tpu.memref_slice %arg3[%dma_wait3A_694, %dma_wait3A_695] : memref<1000000x64xf32, #tpu.memory_space<hbm>> -> memref<56x64xf32, #tpu.memory_space<hbm>>
      tpu.wait_dma2 semaphore(%arg9 : memref<!tpu.dma_semaphore, #tpu.memory_space<semaphore_mem>>) src(%dma_wait3A_696 : memref<56x64xf32, #tpu.memory_space<hbm>>) dst(%dma_wait3A_693 : memref<56x64xf32, #tpu.memory_space<vmem>>)
      %dma_wait3A_697 = arith.constant 0 : i32
      %dma_wait3A_698 = arith.constant 0 : i32
      %dma_wait3A_699 = tpu.memref_slice %arg7[%dma_wait3A_697, %dma_wait3A_698] : memref<448x64xf32, #tpu.memory_space<vmem>> -> memref<56x64xf32, #tpu.memory_space<vmem>>
      %dma_wait3A_700 = arith.constant 0 : i32
      %dma_wait3A_701 = arith.constant 0 : i32
      %dma_wait3A_702 = tpu.memref_slice %arg3[%dma_wait3A_700, %dma_wait3A_701] : memref<1000000x64xf32, #tpu.memory_space<hbm>> -> memref<56x64xf32, #tpu.memory_space<hbm>>
      %dma_wait3A_703 = arith.constant 0 : i32
      %dma_wait3A_704 = arith.constant 0 : i32
      %dma_wait3A_705 = tpu.memref_slice %arg7[%dma_wait3A_703, %dma_wait3A_704] : memref<448x64xf32, #tpu.memory_space<vmem>> -> memref<56x64xf32, #tpu.memory_space<vmem>>
      %dma_wait3A_706 = arith.constant 0 : i32
      %dma_wait3A_707 = arith.constant 0 : i32
      %dma_wait3A_708 = tpu.memref_slice %arg3[%dma_wait3A_706, %dma_wait3A_707] : memref<1000000x64xf32, #tpu.memory_space<hbm>> -> memref<56x64xf32, #tpu.memory_space<hbm>>
      tpu.wait_dma2 semaphore(%arg9 : memref<!tpu.dma_semaphore, #tpu.memory_space<semaphore_mem>>) src(%dma_wait3A_708 : memref<56x64xf32, #tpu.memory_space<hbm>>) dst(%dma_wait3A_705 : memref<56x64xf32, #tpu.memory_space<vmem>>)
      %dma_wait3A_709 = arith.constant 0 : i32
      %dma_wait3A_710 = arith.constant 0 : i32
      %dma_wait3A_711 = tpu.memref_slice %arg7[%dma_wait3A_709, %dma_wait3A_710] : memref<448x64xf32, #tpu.memory_space<vmem>> -> memref<56x64xf32, #tpu.memory_space<vmem>>
      %dma_wait3A_712 = arith.constant 0 : i32
      %dma_wait3A_713 = arith.constant 0 : i32
      %dma_wait3A_714 = tpu.memref_slice %arg3[%dma_wait3A_712, %dma_wait3A_713] : memref<1000000x64xf32, #tpu.memory_space<hbm>> -> memref<56x64xf32, #tpu.memory_space<hbm>>
      %dma_wait3A_715 = arith.constant 0 : i32
      %dma_wait3A_716 = arith.constant 0 : i32
      %dma_wait3A_717 = tpu.memref_slice %arg7[%dma_wait3A_715, %dma_wait3A_716] : memref<448x64xf32, #tpu.memory_space<vmem>> -> memref<56x64xf32, #tpu.memory_space<vmem>>
      %dma_wait3A_718 = arith.constant 0 : i32
      %dma_wait3A_719 = arith.constant 0 : i32
      %dma_wait3A_720 = tpu.memref_slice %arg3[%dma_wait3A_718, %dma_wait3A_719] : memref<1000000x64xf32, #tpu.memory_space<hbm>> -> memref<56x64xf32, #tpu.memory_space<hbm>>
      tpu.wait_dma2 semaphore(%arg9 : memref<!tpu.dma_semaphore, #tpu.memory_space<semaphore_mem>>) src(%dma_wait3A_720 : memref<56x64xf32, #tpu.memory_space<hbm>>) dst(%dma_wait3A_717 : memref<56x64xf32, #tpu.memory_space<vmem>>)
      %dma_start3A_721 = arith.constant 0 : i32
      %dma_start3A_722 = arith.constant 0 : i32
      %dma_start3A_723 = tpu.memref_slice %arg7[%dma_start3A_721, %dma_start3A_722] : memref<448x64xf32, #tpu.memory_space<vmem>> -> memref<50x64xf32, #tpu.memory_space<vmem>>
      %dma_start3A_724 = arith.constant 0 : i32
      %dma_start3A_725 = arith.constant 0 : i32
      %dma_start3A_726 = tpu.memref_slice %arg4[%add3A, %add3A_624, %dma_start3A_724, %dma_start3A_725] : memref<32x64x400x64xf32, #tpu.memory_space<hbm>> -> memref<1x1x50x64xf32, #tpu.memory_space<hbm>>
      %dma_start3A_727 = tpu.memref_squeeze %dma_start3A_726 : memref<1x1x50x64xf32, #tpu.memory_space<hbm>> -> memref<50x64xf32, #tpu.memory_space<hbm>>
      %dma_start3A_728 = arith.constant 0 : i32
      %dma_start3A_729 = arith.constant 0 : i32
      %dma_start3A_730 = tpu.memref_slice %arg4[%add3A, %add3A_624, %dma_start3A_728, %dma_start3A_729] : memref<32x64x400x64xf32, #tpu.memory_space<hbm>> -> memref<1x1x50x64xf32, #tpu.memory_space<hbm>>
      %dma_start3A_731 = tpu.memref_squeeze %dma_start3A_730 : memref<1x1x50x64xf32, #tpu.memory_space<hbm>> -> memref<50x64xf32, #tpu.memory_space<hbm>>
      %dma_start3A_732 = arith.constant 0 : i32
      %dma_start3A_733 = arith.constant 0 : i32
      %dma_start3A_734 = tpu.memref_slice %arg7[%dma_start3A_732, %dma_start3A_733] : memref<448x64xf32, #tpu.memory_space<vmem>> -> memref<50x64xf32, #tpu.memory_space<vmem>>
      tpu.enqueue_dma source(%dma_start3A_734 : memref<50x64xf32, #tpu.memory_space<vmem>>) target(%dma_start3A_731 : memref<50x64xf32, #tpu.memory_space<hbm>>) target_semaphore(%arg11 : memref<!tpu.dma_semaphore, #tpu.memory_space<semaphore_mem>>)
      %dma_start3A_735 = arith.constant 56 : i32
      %dma_start3A_736 = arith.constant 0 : i32
      %dma_start3A_737 = tpu.memref_slice %arg7[%dma_start3A_735, %dma_start3A_736] : memref<448x64xf32, #tpu.memory_space<vmem>> -> memref<50x64xf32, #tpu.memory_space<vmem>>
      %dma_start3A_738 = arith.constant 50 : i32
      %dma_start3A_739 = arith.constant 0 : i32
      %dma_start3A_740 = tpu.memref_slice %arg4[%add3A, %add3A_624, %dma_start3A_738, %dma_start3A_739] : memref<32x64x400x64xf32, #tpu.memory_space<hbm>> -> memref<1x1x50x64xf32, #tpu.memory_space<hbm>>
      %dma_start3A_741 = tpu.memref_squeeze %dma_start3A_740 : memref<1x1x50x64xf32, #tpu.memory_space<hbm>> -> memref<50x64xf32, #tpu.memory_space<hbm>>
      %dma_start3A_742 = arith.constant 50 : i32
      %dma_start3A_743 = arith.constant 0 : i32
      %dma_start3A_744 = tpu.memref_slice %arg4[%add3A, %add3A_624, %dma_start3A_742, %dma_start3A_743] : memref<32x64x400x64xf32, #tpu.memory_space<hbm>> -> memref<1x1x50x64xf32, #tpu.memory_space<hbm>>
      %dma_start3A_745 = tpu.memref_squeeze %dma_start3A_744 : memref<1x1x50x64xf32, #tpu.memory_space<hbm>> -> memref<50x64xf32, #tpu.memory_space<hbm>>
      %dma_start3A_746 = arith.constant 56 : i32
      %dma_start3A_747 = arith.constant 0 : i32
      %dma_start3A_748 = tpu.memref_slice %arg7[%dma_start3A_746, %dma_start3A_747] : memref<448x64xf32, #tpu.memory_space<vmem>> -> memref<50x64xf32, #tpu.memory_space<vmem>>
      tpu.enqueue_dma source(%dma_start3A_748 : memref<50x64xf32, #tpu.memory_space<vmem>>) target(%dma_start3A_745 : memref<50x64xf32, #tpu.memory_space<hbm>>) target_semaphore(%arg11 : memref<!tpu.dma_semaphore, #tpu.memory_space<semaphore_mem>>)
      %dma_start3A_749 = arith.constant 112 : i32
      %dma_start3A_750 = arith.constant 0 : i32
      %dma_start3A_751 = tpu.memref_slice %arg7[%dma_start3A_749, %dma_start3A_750] : memref<448x64xf32, #tpu.memory_space<vmem>> -> memref<50x64xf32, #tpu.memory_space<vmem>>
      %dma_start3A_752 = arith.constant 100 : i32
      %dma_start3A_753 = arith.constant 0 : i32
      %dma_start3A_754 = tpu.memref_slice %arg4[%add3A, %add3A_624, %dma_start3A_752, %dma_start3A_753] : memref<32x64x400x64xf32, #tpu.memory_space<hbm>> -> memref<1x1x50x64xf32, #tpu.memory_space<hbm>>
      %dma_start3A_755 = tpu.memref_squeeze %dma_start3A_754 : memref<1x1x50x64xf32, #tpu.memory_space<hbm>> -> memref<50x64xf32, #tpu.memory_space<hbm>>
      %dma_start3A_756 = arith.constant 100 : i32
      %dma_start3A_757 = arith.constant 0 : i32
      %dma_start3A_758 = tpu.memref_slice %arg4[%add3A, %add3A_624, %dma_start3A_756, %dma_start3A_757] : memref<32x64x400x64xf32, #tpu.memory_space<hbm>> -> memref<1x1x50x64xf32, #tpu.memory_space<hbm>>
      %dma_start3A_759 = tpu.memref_squeeze %dma_start3A_758 : memref<1x1x50x64xf32, #tpu.memory_space<hbm>> -> memref<50x64xf32, #tpu.memory_space<hbm>>
      %dma_start3A_760 = arith.constant 112 : i32
      %dma_start3A_761 = arith.constant 0 : i32
      %dma_start3A_762 = tpu.memref_slice %arg7[%dma_start3A_760, %dma_start3A_761] : memref<448x64xf32, #tpu.memory_space<vmem>> -> memref<50x64xf32, #tpu.memory_space<vmem>>
      tpu.enqueue_dma source(%dma_start3A_762 : memref<50x64xf32, #tpu.memory_space<vmem>>) target(%dma_start3A_759 : memref<50x64xf32, #tpu.memory_space<hbm>>) target_semaphore(%arg11 : memref<!tpu.dma_semaphore, #tpu.memory_space<semaphore_mem>>)
      %dma_start3A_763 = arith.constant 168 : i32
      %dma_start3A_764 = arith.constant 0 : i32
      %dma_start3A_765 = tpu.memref_slice %arg7[%dma_start3A_763, %dma_start3A_764] : memref<448x64xf32, #tpu.memory_space<vmem>> -> memref<50x64xf32, #tpu.memory_space<vmem>>
      %dma_start3A_766 = arith.constant 150 : i32
      %dma_start3A_767 = arith.constant 0 : i32
      %dma_start3A_768 = tpu.memref_slice %arg4[%add3A, %add3A_624, %dma_start3A_766, %dma_start3A_767] : memref<32x64x400x64xf32, #tpu.memory_space<hbm>> -> memref<1x1x50x64xf32, #tpu.memory_space<hbm>>
      %dma_start3A_769 = tpu.memref_squeeze %dma_start3A_768 : memref<1x1x50x64xf32, #tpu.memory_space<hbm>> -> memref<50x64xf32, #tpu.memory_space<hbm>>
      %dma_start3A_770 = arith.constant 150 : i32
      %dma_start3A_771 = arith.constant 0 : i32
      %dma_start3A_772 = tpu.memref_slice %arg4[%add3A, %add3A_624, %dma_start3A_770, %dma_start3A_771] : memref<32x64x400x64xf32, #tpu.memory_space<hbm>> -> memref<1x1x50x64xf32, #tpu.memory_space<hbm>>
      %dma_start3A_773 = tpu.memref_squeeze %dma_start3A_772 : memref<1x1x50x64xf32, #tpu.memory_space<hbm>> -> memref<50x64xf32, #tpu.memory_space<hbm>>
      %dma_start3A_774 = arith.constant 168 : i32
      %dma_start3A_775 = arith.constant 0 : i32
      %dma_start3A_776 = tpu.memref_slice %arg7[%dma_start3A_774, %dma_start3A_775] : memref<448x64xf32, #tpu.memory_space<vmem>> -> memref<50x64xf32, #tpu.memory_space<vmem>>
      tpu.enqueue_dma source(%dma_start3A_776 : memref<50x64xf32, #tpu.memory_space<vmem>>) target(%dma_start3A_773 : memref<50x64xf32, #tpu.memory_space<hbm>>) target_semaphore(%arg11 : memref<!tpu.dma_semaphore, #tpu.memory_space<semaphore_mem>>)
      %dma_start3A_777 = arith.constant 224 : i32
      %dma_start3A_778 = arith.constant 0 : i32
      %dma_start3A_779 = tpu.memref_slice %arg7[%dma_start3A_777, %dma_start3A_778] : memref<448x64xf32, #tpu.memory_space<vmem>> -> memref<50x64xf32, #tpu.memory_space<vmem>>
      %dma_start3A_780 = arith.constant 200 : i32
      %dma_start3A_781 = arith.constant 0 : i32
      %dma_start3A_782 = tpu.memref_slice %arg4[%add3A, %add3A_624, %dma_start3A_780, %dma_start3A_781] : memref<32x64x400x64xf32, #tpu.memory_space<hbm>> -> memref<1x1x50x64xf32, #tpu.memory_space<hbm>>
      %dma_start3A_783 = tpu.memref_squeeze %dma_start3A_782 : memref<1x1x50x64xf32, #tpu.memory_space<hbm>> -> memref<50x64xf32, #tpu.memory_space<hbm>>
      %dma_start3A_784 = arith.constant 200 : i32
      %dma_start3A_785 = arith.constant 0 : i32
      %dma_start3A_786 = tpu.memref_slice %arg4[%add3A, %add3A_624, %dma_start3A_784, %dma_start3A_785] : memref<32x64x400x64xf32, #tpu.memory_space<hbm>> -> memref<1x1x50x64xf32, #tpu.memory_space<hbm>>
      %dma_start3A_787 = tpu.memref_squeeze %dma_start3A_786 : memref<1x1x50x64xf32, #tpu.memory_space<hbm>> -> memref<50x64xf32, #tpu.memory_space<hbm>>
      %dma_start3A_788 = arith.constant 224 : i32
      %dma_start3A_789 = arith.constant 0 : i32
      %dma_start3A_790 = tpu.memref_slice %arg7[%dma_start3A_788, %dma_start3A_789] : memref<448x64xf32, #tpu.memory_space<vmem>> -> memref<50x64xf32, #tpu.memory_space<vmem>>
      tpu.enqueue_dma source(%dma_start3A_790 : memref<50x64xf32, #tpu.memory_space<vmem>>) target(%dma_start3A_787 : memref<50x64xf32, #tpu.memory_space<hbm>>) target_semaphore(%arg11 : memref<!tpu.dma_semaphore, #tpu.memory_space<semaphore_mem>>)
      %dma_start3A_791 = arith.constant 280 : i32
      %dma_start3A_792 = arith.constant 0 : i32
      %dma_start3A_793 = tpu.memref_slice %arg7[%dma_start3A_791, %dma_start3A_792] : memref<448x64xf32, #tpu.memory_space<vmem>> -> memref<50x64xf32, #tpu.memory_space<vmem>>
      %dma_start3A_794 = arith.constant 250 : i32
      %dma_start3A_795 = arith.constant 0 : i32
      %dma_start3A_796 = tpu.memref_slice %arg4[%add3A, %add3A_624, %dma_start3A_794, %dma_start3A_795] : memref<32x64x400x64xf32, #tpu.memory_space<hbm>> -> memref<1x1x50x64xf32, #tpu.memory_space<hbm>>
      %dma_start3A_797 = tpu.memref_squeeze %dma_start3A_796 : memref<1x1x50x64xf32, #tpu.memory_space<hbm>> -> memref<50x64xf32, #tpu.memory_space<hbm>>
      %dma_start3A_798 = arith.constant 250 : i32
      %dma_start3A_799 = arith.constant 0 : i32
      %dma_start3A_800 = tpu.memref_slice %arg4[%add3A, %add3A_624, %dma_start3A_798, %dma_start3A_799] : memref<32x64x400x64xf32, #tpu.memory_space<hbm>> -> memref<1x1x50x64xf32, #tpu.memory_space<hbm>>
      %dma_start3A_801 = tpu.memref_squeeze %dma_start3A_800 : memref<1x1x50x64xf32, #tpu.memory_space<hbm>> -> memref<50x64xf32, #tpu.memory_space<hbm>>
      %dma_start3A_802 = arith.constant 280 : i32
      %dma_start3A_803 = arith.constant 0 : i32
      %dma_start3A_804 = tpu.memref_slice %arg7[%dma_start3A_802, %dma_start3A_803] : memref<448x64xf32, #tpu.memory_space<vmem>> -> memref<50x64xf32, #tpu.memory_space<vmem>>
      tpu.enqueue_dma source(%dma_start3A_804 : memref<50x64xf32, #tpu.memory_space<vmem>>) target(%dma_start3A_801 : memref<50x64xf32, #tpu.memory_space<hbm>>) target_semaphore(%arg11 : memref<!tpu.dma_semaphore, #tpu.memory_space<semaphore_mem>>)
      %dma_start3A_805 = arith.constant 336 : i32
      %dma_start3A_806 = arith.constant 0 : i32
      %dma_start3A_807 = tpu.memref_slice %arg7[%dma_start3A_805, %dma_start3A_806] : memref<448x64xf32, #tpu.memory_space<vmem>> -> memref<50x64xf32, #tpu.memory_space<vmem>>
      %dma_start3A_808 = arith.constant 300 : i32
      %dma_start3A_809 = arith.constant 0 : i32
      %dma_start3A_810 = tpu.memref_slice %arg4[%add3A, %add3A_624, %dma_start3A_808, %dma_start3A_809] : memref<32x64x400x64xf32, #tpu.memory_space<hbm>> -> memref<1x1x50x64xf32, #tpu.memory_space<hbm>>
      %dma_start3A_811 = tpu.memref_squeeze %dma_start3A_810 : memref<1x1x50x64xf32, #tpu.memory_space<hbm>> -> memref<50x64xf32, #tpu.memory_space<hbm>>
      %dma_start3A_812 = arith.constant 300 : i32
      %dma_start3A_813 = arith.constant 0 : i32
      %dma_start3A_814 = tpu.memref_slice %arg4[%add3A, %add3A_624, %dma_start3A_812, %dma_start3A_813] : memref<32x64x400x64xf32, #tpu.memory_space<hbm>> -> memref<1x1x50x64xf32, #tpu.memory_space<hbm>>
      %dma_start3A_815 = tpu.memref_squeeze %dma_start3A_814 : memref<1x1x50x64xf32, #tpu.memory_space<hbm>> -> memref<50x64xf32, #tpu.memory_space<hbm>>
      %dma_start3A_816 = arith.constant 336 : i32
      %dma_start3A_817 = arith.constant 0 : i32
      %dma_start3A_818 = tpu.memref_slice %arg7[%dma_start3A_816, %dma_start3A_817] : memref<448x64xf32, #tpu.memory_space<vmem>> -> memref<50x64xf32, #tpu.memory_space<vmem>>
      tpu.enqueue_dma source(%dma_start3A_818 : memref<50x64xf32, #tpu.memory_space<vmem>>) target(%dma_start3A_815 : memref<50x64xf32, #tpu.memory_space<hbm>>) target_semaphore(%arg11 : memref<!tpu.dma_semaphore, #tpu.memory_space<semaphore_mem>>)
      %dma_start3A_819 = arith.constant 392 : i32
      %dma_start3A_820 = arith.constant 0 : i32
      %dma_start3A_821 = tpu.memref_slice %arg7[%dma_start3A_819, %dma_start3A_820] : memref<448x64xf32, #tpu.memory_space<vmem>> -> memref<50x64xf32, #tpu.memory_space<vmem>>
      %dma_start3A_822 = arith.constant 350 : i32
      %dma_start3A_823 = arith.constant 0 : i32
      %dma_start3A_824 = tpu.memref_slice %arg4[%add3A, %add3A_624, %dma_start3A_822, %dma_start3A_823] : memref<32x64x400x64xf32, #tpu.memory_space<hbm>> -> memref<1x1x50x64xf32, #tpu.memory_space<hbm>>
      %dma_start3A_825 = tpu.memref_squeeze %dma_start3A_824 : memref<1x1x50x64xf32, #tpu.memory_space<hbm>> -> memref<50x64xf32, #tpu.memory_space<hbm>>
      %dma_start3A_826 = arith.constant 350 : i32
      %dma_start3A_827 = arith.constant 0 : i32
      %dma_start3A_828 = tpu.memref_slice %arg4[%add3A, %add3A_624, %dma_start3A_826, %dma_start3A_827] : memref<32x64x400x64xf32, #tpu.memory_space<hbm>> -> memref<1x1x50x64xf32, #tpu.memory_space<hbm>>
      %dma_start3A_829 = tpu.memref_squeeze %dma_start3A_828 : memref<1x1x50x64xf32, #tpu.memory_space<hbm>> -> memref<50x64xf32, #tpu.memory_space<hbm>>
      %dma_start3A_830 = arith.constant 392 : i32
      %dma_start3A_831 = arith.constant 0 : i32
      %dma_start3A_832 = tpu.memref_slice %arg7[%dma_start3A_830, %dma_start3A_831] : memref<448x64xf32, #tpu.memory_space<vmem>> -> memref<50x64xf32, #tpu.memory_space<vmem>>
      tpu.enqueue_dma source(%dma_start3A_832 : memref<50x64xf32, #tpu.memory_space<vmem>>) target(%dma_start3A_829 : memref<50x64xf32, #tpu.memory_space<hbm>>) target_semaphore(%arg11 : memref<!tpu.dma_semaphore, #tpu.memory_space<semaphore_mem>>)
      %add3A_833 = arith.constant 2 : i32
      %add3A_834 = arith.addi %add3A_624, %add3A_833 : i32
      %lt3A_835 = arith.constant 64 : i32
      %lt3A_836 = arith.cmpi slt, %add3A_834, %lt3A_835 : i32
      %convert_element_type3A_837 = arith.extui %lt3A_836 : i1 to i32
      %cond3A_838 = arith.constant 0 : i32
      %cond3A_839 = arith.cmpi ne, %convert_element_type3A_837, %cond3A_838 : i32
      scf.if %cond3A_839 {
        %dma_wait3A_840 = arith.constant 0 : i32
        %dma_wait3A_841 = arith.constant 0 : i32
        %dma_wait3A_842 = arith.constant 0 : i32
        %dma_wait3A_843 = tpu.memref_slice %arg7[%dma_wait3A_841, %dma_wait3A_842] : memref<448x64xf32, #tpu.memory_space<vmem>> -> memref<50x64xf32, #tpu.memory_space<vmem>>
        %dma_wait3A_844 = arith.constant 0 : i32
        %dma_wait3A_845 = arith.constant 0 : i32
        %dma_wait3A_846 = tpu.memref_slice %arg4[%add3A, %dma_wait3A_840, %dma_wait3A_844, %dma_wait3A_845] : memref<32x64x400x64xf32, #tpu.memory_space<hbm>> -> memref<1x1x50x64xf32, #tpu.memory_space<hbm>>
        %dma_wait3A_847 = tpu.memref_squeeze %dma_wait3A_846 : memref<1x1x50x64xf32, #tpu.memory_space<hbm>> -> memref<50x64xf32, #tpu.memory_space<hbm>>
        %dma_wait3A_848 = arith.constant 0 : i32
        %dma_wait3A_849 = arith.constant 0 : i32
        %dma_wait3A_850 = tpu.memref_slice %arg4[%add3A, %dma_wait3A_840, %dma_wait3A_848, %dma_wait3A_849] : memref<32x64x400x64xf32, #tpu.memory_space<hbm>> -> memref<1x1x50x64xf32, #tpu.memory_space<hbm>>
        %dma_wait3A_851 = tpu.memref_squeeze %dma_wait3A_850 : memref<1x1x50x64xf32, #tpu.memory_space<hbm>> -> memref<50x64xf32, #tpu.memory_space<hbm>>
        %dma_wait3A_852 = arith.constant 0 : i32
        %dma_wait3A_853 = arith.constant 0 : i32
        %dma_wait3A_854 = tpu.memref_slice %arg7[%dma_wait3A_852, %dma_wait3A_853] : memref<448x64xf32, #tpu.memory_space<vmem>> -> memref<50x64xf32, #tpu.memory_space<vmem>>
        tpu.wait_dma2 semaphore(%arg11 : memref<!tpu.dma_semaphore, #tpu.memory_space<semaphore_mem>>) src(%dma_wait3A_854 : memref<50x64xf32, #tpu.memory_space<vmem>>) dst(%dma_wait3A_851 : memref<50x64xf32, #tpu.memory_space<hbm>>)
        %dma_wait3A_855 = arith.constant 0 : i32
        %dma_wait3A_856 = arith.constant 0 : i32
        %dma_wait3A_857 = arith.constant 0 : i32
        %dma_wait3A_858 = tpu.memref_slice %arg7[%dma_wait3A_856, %dma_wait3A_857] : memref<448x64xf32, #tpu.memory_space<vmem>> -> memref<50x64xf32, #tpu.memory_space<vmem>>
        %dma_wait3A_859 = arith.constant 0 : i32
        %dma_wait3A_860 = arith.constant 0 : i32
        %dma_wait3A_861 = tpu.memref_slice %arg4[%add3A, %dma_wait3A_855, %dma_wait3A_859, %dma_wait3A_860] : memref<32x64x400x64xf32, #tpu.memory_space<hbm>> -> memref<1x1x50x64xf32, #tpu.memory_space<hbm>>
        %dma_wait3A_862 = tpu.memref_squeeze %dma_wait3A_861 : memref<1x1x50x64xf32, #tpu.memory_space<hbm>> -> memref<50x64xf32, #tpu.memory_space<hbm>>
        %dma_wait3A_863 = arith.constant 0 : i32
        %dma_wait3A_864 = arith.constant 0 : i32
        %dma_wait3A_865 = tpu.memref_slice %arg4[%add3A, %dma_wait3A_855, %dma_wait3A_863, %dma_wait3A_864] : memref<32x64x400x64xf32, #tpu.memory_space<hbm>> -> memref<1x1x50x64xf32, #tpu.memory_space<hbm>>
        %dma_wait3A_866 = tpu.memref_squeeze %dma_wait3A_865 : memref<1x1x50x64xf32, #tpu.memory_space<hbm>> -> memref<50x64xf32, #tpu.memory_space<hbm>>
        %dma_wait3A_867 = arith.constant 0 : i32
        %dma_wait3A_868 = arith.constant 0 : i32
        %dma_wait3A_869 = tpu.memref_slice %arg7[%dma_wait3A_867, %dma_wait3A_868] : memref<448x64xf32, #tpu.memory_space<vmem>> -> memref<50x64xf32, #tpu.memory_space<vmem>>
        tpu.wait_dma2 semaphore(%arg11 : memref<!tpu.dma_semaphore, #tpu.memory_space<semaphore_mem>>) src(%dma_wait3A_869 : memref<50x64xf32, #tpu.memory_space<vmem>>) dst(%dma_wait3A_866 : memref<50x64xf32, #tpu.memory_space<hbm>>)
        %dma_wait3A_870 = arith.constant 0 : i32
        %dma_wait3A_871 = arith.constant 0 : i32
        %dma_wait3A_872 = arith.constant 0 : i32
        %dma_wait3A_873 = tpu.memref_slice %arg7[%dma_wait3A_871, %dma_wait3A_872] : memref<448x64xf32, #tpu.memory_space<vmem>> -> memref<50x64xf32, #tpu.memory_space<vmem>>
        %dma_wait3A_874 = arith.constant 0 : i32
        %dma_wait3A_875 = arith.constant 0 : i32
        %dma_wait3A_876 = tpu.memref_slice %arg4[%add3A, %dma_wait3A_870, %dma_wait3A_874, %dma_wait3A_875] : memref<32x64x400x64xf32, #tpu.memory_space<hbm>> -> memref<1x1x50x64xf32, #tpu.memory_space<hbm>>
        %dma_wait3A_877 = tpu.memref_squeeze %dma_wait3A_876 : memref<1x1x50x64xf32, #tpu.memory_space<hbm>> -> memref<50x64xf32, #tpu.memory_space<hbm>>
        %dma_wait3A_878 = arith.constant 0 : i32
        %dma_wait3A_879 = arith.constant 0 : i32
        %dma_wait3A_880 = tpu.memref_slice %arg4[%add3A, %dma_wait3A_870, %dma_wait3A_878, %dma_wait3A_879] : memref<32x64x400x64xf32, #tpu.memory_space<hbm>> -> memref<1x1x50x64xf32, #tpu.memory_space<hbm>>
        %dma_wait3A_881 = tpu.memref_squeeze %dma_wait3A_880 : memref<1x1x50x64xf32, #tpu.memory_space<hbm>> -> memref<50x64xf32, #tpu.memory_space<hbm>>
        %dma_wait3A_882 = arith.constant 0 : i32
        %dma_wait3A_883 = arith.constant 0 : i32
        %dma_wait3A_884 = tpu.memref_slice %arg7[%dma_wait3A_882, %dma_wait3A_883] : memref<448x64xf32, #tpu.memory_space<vmem>> -> memref<50x64xf32, #tpu.memory_space<vmem>>
        tpu.wait_dma2 semaphore(%arg11 : memref<!tpu.dma_semaphore, #tpu.memory_space<semaphore_mem>>) src(%dma_wait3A_884 : memref<50x64xf32, #tpu.memory_space<vmem>>) dst(%dma_wait3A_881 : memref<50x64xf32, #tpu.memory_space<hbm>>)
        %dma_wait3A_885 = arith.constant 0 : i32
        %dma_wait3A_886 = arith.constant 0 : i32
        %dma_wait3A_887 = arith.constant 0 : i32
        %dma_wait3A_888 = tpu.memref_slice %arg7[%dma_wait3A_886, %dma_wait3A_887] : memref<448x64xf32, #tpu.memory_space<vmem>> -> memref<50x64xf32, #tpu.memory_space<vmem>>
        %dma_wait3A_889 = arith.constant 0 : i32
        %dma_wait3A_890 = arith.constant 0 : i32
        %dma_wait3A_891 = tpu.memref_slice %arg4[%add3A, %dma_wait3A_885, %dma_wait3A_889, %dma_wait3A_890] : memref<32x64x400x64xf32, #tpu.memory_space<hbm>> -> memref<1x1x50x64xf32, #tpu.memory_space<hbm>>
        %dma_wait3A_892 = tpu.memref_squeeze %dma_wait3A_891 : memref<1x1x50x64xf32, #tpu.memory_space<hbm>> -> memref<50x64xf32, #tpu.memory_space<hbm>>
        %dma_wait3A_893 = arith.constant 0 : i32
        %dma_wait3A_894 = arith.constant 0 : i32
        %dma_wait3A_895 = tpu.memref_slice %arg4[%add3A, %dma_wait3A_885, %dma_wait3A_893, %dma_wait3A_894] : memref<32x64x400x64xf32, #tpu.memory_space<hbm>> -> memref<1x1x50x64xf32, #tpu.memory_space<hbm>>
        %dma_wait3A_896 = tpu.memref_squeeze %dma_wait3A_895 : memref<1x1x50x64xf32, #tpu.memory_space<hbm>> -> memref<50x64xf32, #tpu.memory_space<hbm>>
        %dma_wait3A_897 = arith.constant 0 : i32
        %dma_wait3A_898 = arith.constant 0 : i32
        %dma_wait3A_899 = tpu.memref_slice %arg7[%dma_wait3A_897, %dma_wait3A_898] : memref<448x64xf32, #tpu.memory_space<vmem>> -> memref<50x64xf32, #tpu.memory_space<vmem>>
        tpu.wait_dma2 semaphore(%arg11 : memref<!tpu.dma_semaphore, #tpu.memory_space<semaphore_mem>>) src(%dma_wait3A_899 : memref<50x64xf32, #tpu.memory_space<vmem>>) dst(%dma_wait3A_896 : memref<50x64xf32, #tpu.memory_space<hbm>>)
        %dma_wait3A_900 = arith.constant 0 : i32
        %dma_wait3A_901 = arith.constant 0 : i32
        %dma_wait3A_902 = arith.constant 0 : i32
        %dma_wait3A_903 = tpu.memref_slice %arg7[%dma_wait3A_901, %dma_wait3A_902] : memref<448x64xf32, #tpu.memory_space<vmem>> -> memref<50x64xf32, #tpu.memory_space<vmem>>
        %dma_wait3A_904 = arith.constant 0 : i32
        %dma_wait3A_905 = arith.constant 0 : i32
        %dma_wait3A_906 = tpu.memref_slice %arg4[%add3A, %dma_wait3A_900, %dma_wait3A_904, %dma_wait3A_905] : memref<32x64x400x64xf32, #tpu.memory_space<hbm>> -> memref<1x1x50x64xf32, #tpu.memory_space<hbm>>
        %dma_wait3A_907 = tpu.memref_squeeze %dma_wait3A_906 : memref<1x1x50x64xf32, #tpu.memory_space<hbm>> -> memref<50x64xf32, #tpu.memory_space<hbm>>
        %dma_wait3A_908 = arith.constant 0 : i32
        %dma_wait3A_909 = arith.constant 0 : i32
        %dma_wait3A_910 = tpu.memref_slice %arg4[%add3A, %dma_wait3A_900, %dma_wait3A_908, %dma_wait3A_909] : memref<32x64x400x64xf32, #tpu.memory_space<hbm>> -> memref<1x1x50x64xf32, #tpu.memory_space<hbm>>
        %dma_wait3A_911 = tpu.memref_squeeze %dma_wait3A_910 : memref<1x1x50x64xf32, #tpu.memory_space<hbm>> -> memref<50x64xf32, #tpu.memory_space<hbm>>
        %dma_wait3A_912 = arith.constant 0 : i32
        %dma_wait3A_913 = arith.constant 0 : i32
        %dma_wait3A_914 = tpu.memref_slice %arg7[%dma_wait3A_912, %dma_wait3A_913] : memref<448x64xf32, #tpu.memory_space<vmem>> -> memref<50x64xf32, #tpu.memory_space<vmem>>
        tpu.wait_dma2 semaphore(%arg11 : memref<!tpu.dma_semaphore, #tpu.memory_space<semaphore_mem>>) src(%dma_wait3A_914 : memref<50x64xf32, #tpu.memory_space<vmem>>) dst(%dma_wait3A_911 : memref<50x64xf32, #tpu.memory_space<hbm>>)
        %dma_wait3A_915 = arith.constant 0 : i32
        %dma_wait3A_916 = arith.constant 0 : i32
        %dma_wait3A_917 = arith.constant 0 : i32
        %dma_wait3A_918 = tpu.memref_slice %arg7[%dma_wait3A_916, %dma_wait3A_917] : memref<448x64xf32, #tpu.memory_space<vmem>> -> memref<50x64xf32, #tpu.memory_space<vmem>>
        %dma_wait3A_919 = arith.constant 0 : i32
        %dma_wait3A_920 = arith.constant 0 : i32
        %dma_wait3A_921 = tpu.memref_slice %arg4[%add3A, %dma_wait3A_915, %dma_wait3A_919, %dma_wait3A_920] : memref<32x64x400x64xf32, #tpu.memory_space<hbm>> -> memref<1x1x50x64xf32, #tpu.memory_space<hbm>>
        %dma_wait3A_922 = tpu.memref_squeeze %dma_wait3A_921 : memref<1x1x50x64xf32, #tpu.memory_space<hbm>> -> memref<50x64xf32, #tpu.memory_space<hbm>>
        %dma_wait3A_923 = arith.constant 0 : i32
        %dma_wait3A_924 = arith.constant 0 : i32
        %dma_wait3A_925 = tpu.memref_slice %arg4[%add3A, %dma_wait3A_915, %dma_wait3A_923, %dma_wait3A_924] : memref<32x64x400x64xf32, #tpu.memory_space<hbm>> -> memref<1x1x50x64xf32, #tpu.memory_space<hbm>>
        %dma_wait3A_926 = tpu.memref_squeeze %dma_wait3A_925 : memref<1x1x50x64xf32, #tpu.memory_space<hbm>> -> memref<50x64xf32, #tpu.memory_space<hbm>>
        %dma_wait3A_927 = arith.constant 0 : i32
        %dma_wait3A_928 = arith.constant 0 : i32
        %dma_wait3A_929 = tpu.memref_slice %arg7[%dma_wait3A_927, %dma_wait3A_928] : memref<448x64xf32, #tpu.memory_space<vmem>> -> memref<50x64xf32, #tpu.memory_space<vmem>>
        tpu.wait_dma2 semaphore(%arg11 : memref<!tpu.dma_semaphore, #tpu.memory_space<semaphore_mem>>) src(%dma_wait3A_929 : memref<50x64xf32, #tpu.memory_space<vmem>>) dst(%dma_wait3A_926 : memref<50x64xf32, #tpu.memory_space<hbm>>)
        %dma_wait3A_930 = arith.constant 0 : i32
        %dma_wait3A_931 = arith.constant 0 : i32
        %dma_wait3A_932 = arith.constant 0 : i32
        %dma_wait3A_933 = tpu.memref_slice %arg7[%dma_wait3A_931, %dma_wait3A_932] : memref<448x64xf32, #tpu.memory_space<vmem>> -> memref<50x64xf32, #tpu.memory_space<vmem>>
        %dma_wait3A_934 = arith.constant 0 : i32
        %dma_wait3A_935 = arith.constant 0 : i32
        %dma_wait3A_936 = tpu.memref_slice %arg4[%add3A, %dma_wait3A_930, %dma_wait3A_934, %dma_wait3A_935] : memref<32x64x400x64xf32, #tpu.memory_space<hbm>> -> memref<1x1x50x64xf32, #tpu.memory_space<hbm>>
        %dma_wait3A_937 = tpu.memref_squeeze %dma_wait3A_936 : memref<1x1x50x64xf32, #tpu.memory_space<hbm>> -> memref<50x64xf32, #tpu.memory_space<hbm>>
        %dma_wait3A_938 = arith.constant 0 : i32
        %dma_wait3A_939 = arith.constant 0 : i32
        %dma_wait3A_940 = tpu.memref_slice %arg4[%add3A, %dma_wait3A_930, %dma_wait3A_938, %dma_wait3A_939] : memref<32x64x400x64xf32, #tpu.memory_space<hbm>> -> memref<1x1x50x64xf32, #tpu.memory_space<hbm>>
        %dma_wait3A_941 = tpu.memref_squeeze %dma_wait3A_940 : memref<1x1x50x64xf32, #tpu.memory_space<hbm>> -> memref<50x64xf32, #tpu.memory_space<hbm>>
        %dma_wait3A_942 = arith.constant 0 : i32
        %dma_wait3A_943 = arith.constant 0 : i32
        %dma_wait3A_944 = tpu.memref_slice %arg7[%dma_wait3A_942, %dma_wait3A_943] : memref<448x64xf32, #tpu.memory_space<vmem>> -> memref<50x64xf32, #tpu.memory_space<vmem>>
        tpu.wait_dma2 semaphore(%arg11 : memref<!tpu.dma_semaphore, #tpu.memory_space<semaphore_mem>>) src(%dma_wait3A_944 : memref<50x64xf32, #tpu.memory_space<vmem>>) dst(%dma_wait3A_941 : memref<50x64xf32, #tpu.memory_space<hbm>>)
        %dma_wait3A_945 = arith.constant 0 : i32
        %dma_wait3A_946 = arith.constant 0 : i32
        %dma_wait3A_947 = arith.constant 0 : i32
        %dma_wait3A_948 = tpu.memref_slice %arg7[%dma_wait3A_946, %dma_wait3A_947] : memref<448x64xf32, #tpu.memory_space<vmem>> -> memref<50x64xf32, #tpu.memory_space<vmem>>
        %dma_wait3A_949 = arith.constant 0 : i32
        %dma_wait3A_950 = arith.constant 0 : i32
        %dma_wait3A_951 = tpu.memref_slice %arg4[%add3A, %dma_wait3A_945, %dma_wait3A_949, %dma_wait3A_950] : memref<32x64x400x64xf32, #tpu.memory_space<hbm>> -> memref<1x1x50x64xf32, #tpu.memory_space<hbm>>
        %dma_wait3A_952 = tpu.memref_squeeze %dma_wait3A_951 : memref<1x1x50x64xf32, #tpu.memory_space<hbm>> -> memref<50x64xf32, #tpu.memory_space<hbm>>
        %dma_wait3A_953 = arith.constant 0 : i32
        %dma_wait3A_954 = arith.constant 0 : i32
        %dma_wait3A_955 = tpu.memref_slice %arg4[%add3A, %dma_wait3A_945, %dma_wait3A_953, %dma_wait3A_954] : memref<32x64x400x64xf32, #tpu.memory_space<hbm>> -> memref<1x1x50x64xf32, #tpu.memory_space<hbm>>
        %dma_wait3A_956 = tpu.memref_squeeze %dma_wait3A_955 : memref<1x1x50x64xf32, #tpu.memory_space<hbm>> -> memref<50x64xf32, #tpu.memory_space<hbm>>
        %dma_wait3A_957 = arith.constant 0 : i32
        %dma_wait3A_958 = arith.constant 0 : i32
        %dma_wait3A_959 = tpu.memref_slice %arg7[%dma_wait3A_957, %dma_wait3A_958] : memref<448x64xf32, #tpu.memory_space<vmem>> -> memref<50x64xf32, #tpu.memory_space<vmem>>
        tpu.wait_dma2 semaphore(%arg11 : memref<!tpu.dma_semaphore, #tpu.memory_space<semaphore_mem>>) src(%dma_wait3A_959 : memref<50x64xf32, #tpu.memory_space<vmem>>) dst(%dma_wait3A_956 : memref<50x64xf32, #tpu.memory_space<hbm>>)
        %add3A_960 = arith.constant 2 : i32
        %add3A_961 = arith.addi %add3A_624, %add3A_960 : i32
        %mul3A_962 = arith.constant 8 : i32
        %mul3A_963 = arith.muli %add3A_961, %mul3A_962 : i32
        %add3A_964 = arith.constant 0 : i32
        %add3A_965 = arith.addi %mul3A_963, %add3A_964 : i32
        %dma_start3A_966 = arith.constant 0 : i32
        %dma_start3A_967 = arith.constant 0 : i32
        %dma_start3A_968 = tpu.memref_slice %arg7[%dma_start3A_966, %dma_start3A_967] : memref<448x64xf32, #tpu.memory_space<vmem>> -> memref<56x64xf32, #tpu.memory_space<vmem>>
        %dma_start3A_969 = arith.constant 0 : i32
        %dma_start3A_970 = tpu.memref_slice %arg5[%add3A_965, %dma_start3A_969] : memref<512x128xi32, #tpu.memory_space<vmem>> -> memref<1x56xi32, #tpu.memory_space<vmem>>
        %dma_start3A_971 = tpu.memref_squeeze %dma_start3A_970 : memref<1x56xi32, #tpu.memory_space<vmem>> -> memref<56xi32, #tpu.memory_space<vmem>>
        %dma_start3A_972 = arith.constant 0 : i32
        %dma_start3A_973 = arith.constant 0 : i32
        %dma_start3A_974 = tpu.memref_slice %arg3[%dma_start3A_972, %dma_start3A_973] : memref<1000000x64xf32, #tpu.memory_space<hbm>> -> memref<1000000x64xf32, #tpu.memory_space<hbm>>
        tpu.enqueue_indirect_dma source(%dma_start3A_974 : memref<1000000x64xf32, #tpu.memory_space<hbm>>) target(%dma_start3A_968 : memref<56x64xf32, #tpu.memory_space<vmem>>) offsets(%dma_start3A_971 : memref<56xi32, #tpu.memory_space<vmem>>) semaphore(%arg9 : memref<!tpu.dma_semaphore, #tpu.memory_space<semaphore_mem>>)
        %mul3A_975 = arith.constant 8 : i32
        %mul3A_976 = arith.muli %add3A_961, %mul3A_975 : i32
        %add3A_977 = arith.constant 1 : i32
        %add3A_978 = arith.addi %mul3A_976, %add3A_977 : i32
        %dma_start3A_979 = arith.constant 56 : i32
        %dma_start3A_980 = arith.constant 0 : i32
        %dma_start3A_981 = tpu.memref_slice %arg7[%dma_start3A_979, %dma_start3A_980] : memref<448x64xf32, #tpu.memory_space<vmem>> -> memref<56x64xf32, #tpu.memory_space<vmem>>
        %dma_start3A_982 = arith.constant 0 : i32
        %dma_start3A_983 = tpu.memref_slice %arg5[%add3A_978, %dma_start3A_982] : memref<512x128xi32, #tpu.memory_space<vmem>> -> memref<1x56xi32, #tpu.memory_space<vmem>>
        %dma_start3A_984 = tpu.memref_squeeze %dma_start3A_983 : memref<1x56xi32, #tpu.memory_space<vmem>> -> memref<56xi32, #tpu.memory_space<vmem>>
        %dma_start3A_985 = arith.constant 0 : i32
        %dma_start3A_986 = arith.constant 0 : i32
        %dma_start3A_987 = tpu.memref_slice %arg3[%dma_start3A_985, %dma_start3A_986] : memref<1000000x64xf32, #tpu.memory_space<hbm>> -> memref<1000000x64xf32, #tpu.memory_space<hbm>>
        tpu.enqueue_indirect_dma source(%dma_start3A_987 : memref<1000000x64xf32, #tpu.memory_space<hbm>>) target(%dma_start3A_981 : memref<56x64xf32, #tpu.memory_space<vmem>>) offsets(%dma_start3A_984 : memref<56xi32, #tpu.memory_space<vmem>>) semaphore(%arg9 : memref<!tpu.dma_semaphore, #tpu.memory_space<semaphore_mem>>)
        %mul3A_988 = arith.constant 8 : i32
        %mul3A_989 = arith.muli %add3A_961, %mul3A_988 : i32
        %add3A_990 = arith.constant 2 : i32
        %add3A_991 = arith.addi %mul3A_989, %add3A_990 : i32
        %dma_start3A_992 = arith.constant 112 : i32
        %dma_start3A_993 = arith.constant 0 : i32
        %dma_start3A_994 = tpu.memref_slice %arg7[%dma_start3A_992, %dma_start3A_993] : memref<448x64xf32, #tpu.memory_space<vmem>> -> memref<56x64xf32, #tpu.memory_space<vmem>>
        %dma_start3A_995 = arith.constant 0 : i32
        %dma_start3A_996 = tpu.memref_slice %arg5[%add3A_991, %dma_start3A_995] : memref<512x128xi32, #tpu.memory_space<vmem>> -> memref<1x56xi32, #tpu.memory_space<vmem>>
        %dma_start3A_997 = tpu.memref_squeeze %dma_start3A_996 : memref<1x56xi32, #tpu.memory_space<vmem>> -> memref<56xi32, #tpu.memory_space<vmem>>
        %dma_start3A_998 = arith.constant 0 : i32
        %dma_start3A_999 = arith.constant 0 : i32
        %dma_start3A_1000 = tpu.memref_slice %arg3[%dma_start3A_998, %dma_start3A_999] : memref<1000000x64xf32, #tpu.memory_space<hbm>> -> memref<1000000x64xf32, #tpu.memory_space<hbm>>
        tpu.enqueue_indirect_dma source(%dma_start3A_1000 : memref<1000000x64xf32, #tpu.memory_space<hbm>>) target(%dma_start3A_994 : memref<56x64xf32, #tpu.memory_space<vmem>>) offsets(%dma_start3A_997 : memref<56xi32, #tpu.memory_space<vmem>>) semaphore(%arg9 : memref<!tpu.dma_semaphore, #tpu.memory_space<semaphore_mem>>)
        %mul3A_1001 = arith.constant 8 : i32
        %mul3A_1002 = arith.muli %add3A_961, %mul3A_1001 : i32
        %add3A_1003 = arith.constant 3 : i32
        %add3A_1004 = arith.addi %mul3A_1002, %add3A_1003 : i32
        %dma_start3A_1005 = arith.constant 168 : i32
        %dma_start3A_1006 = arith.constant 0 : i32
        %dma_start3A_1007 = tpu.memref_slice %arg7[%dma_start3A_1005, %dma_start3A_1006] : memref<448x64xf32, #tpu.memory_space<vmem>> -> memref<56x64xf32, #tpu.memory_space<vmem>>
        %dma_start3A_1008 = arith.constant 0 : i32
        %dma_start3A_1009 = tpu.memref_slice %arg5[%add3A_1004, %dma_start3A_1008] : memref<512x128xi32, #tpu.memory_space<vmem>> -> memref<1x56xi32, #tpu.memory_space<vmem>>
        %dma_start3A_1010 = tpu.memref_squeeze %dma_start3A_1009 : memref<1x56xi32, #tpu.memory_space<vmem>> -> memref<56xi32, #tpu.memory_space<vmem>>
        %dma_start3A_1011 = arith.constant 0 : i32
        %dma_start3A_1012 = arith.constant 0 : i32
        %dma_start3A_1013 = tpu.memref_slice %arg3[%dma_start3A_1011, %dma_start3A_1012] : memref<1000000x64xf32, #tpu.memory_space<hbm>> -> memref<1000000x64xf32, #tpu.memory_space<hbm>>
        tpu.enqueue_indirect_dma source(%dma_start3A_1013 : memref<1000000x64xf32, #tpu.memory_space<hbm>>) target(%dma_start3A_1007 : memref<56x64xf32, #tpu.memory_space<vmem>>) offsets(%dma_start3A_1010 : memref<56xi32, #tpu.memory_space<vmem>>) semaphore(%arg9 : memref<!tpu.dma_semaphore, #tpu.memory_space<semaphore_mem>>)
        %mul3A_1014 = arith.constant 8 : i32
        %mul3A_1015 = arith.muli %add3A_961, %mul3A_1014 : i32
        %add3A_1016 = arith.constant 4 : i32
        %add3A_1017 = arith.addi %mul3A_1015, %add3A_1016 : i32
        %dma_start3A_1018 = arith.constant 224 : i32
        %dma_start3A_1019 = arith.constant 0 : i32
        %dma_start3A_1020 = tpu.memref_slice %arg7[%dma_start3A_1018, %dma_start3A_1019] : memref<448x64xf32, #tpu.memory_space<vmem>> -> memref<56x64xf32, #tpu.memory_space<vmem>>
        %dma_start3A_1021 = arith.constant 0 : i32
        %dma_start3A_1022 = tpu.memref_slice %arg5[%add3A_1017, %dma_start3A_1021] : memref<512x128xi32, #tpu.memory_space<vmem>> -> memref<1x56xi32, #tpu.memory_space<vmem>>
        %dma_start3A_1023 = tpu.memref_squeeze %dma_start3A_1022 : memref<1x56xi32, #tpu.memory_space<vmem>> -> memref<56xi32, #tpu.memory_space<vmem>>
        %dma_start3A_1024 = arith.constant 0 : i32
        %dma_start3A_1025 = arith.constant 0 : i32
        %dma_start3A_1026 = tpu.memref_slice %arg3[%dma_start3A_1024, %dma_start3A_1025] : memref<1000000x64xf32, #tpu.memory_space<hbm>> -> memref<1000000x64xf32, #tpu.memory_space<hbm>>
        tpu.enqueue_indirect_dma source(%dma_start3A_1026 : memref<1000000x64xf32, #tpu.memory_space<hbm>>) target(%dma_start3A_1020 : memref<56x64xf32, #tpu.memory_space<vmem>>) offsets(%dma_start3A_1023 : memref<56xi32, #tpu.memory_space<vmem>>) semaphore(%arg9 : memref<!tpu.dma_semaphore, #tpu.memory_space<semaphore_mem>>)
        %mul3A_1027 = arith.constant 8 : i32
        %mul3A_1028 = arith.muli %add3A_961, %mul3A_1027 : i32
        %add3A_1029 = arith.constant 5 : i32
        %add3A_1030 = arith.addi %mul3A_1028, %add3A_1029 : i32
        %dma_start3A_1031 = arith.constant 280 : i32
        %dma_start3A_1032 = arith.constant 0 : i32
        %dma_start3A_1033 = tpu.memref_slice %arg7[%dma_start3A_1031, %dma_start3A_1032] : memref<448x64xf32, #tpu.memory_space<vmem>> -> memref<56x64xf32, #tpu.memory_space<vmem>>
        %dma_start3A_1034 = arith.constant 0 : i32
        %dma_start3A_1035 = tpu.memref_slice %arg5[%add3A_1030, %dma_start3A_1034] : memref<512x128xi32, #tpu.memory_space<vmem>> -> memref<1x56xi32, #tpu.memory_space<vmem>>
        %dma_start3A_1036 = tpu.memref_squeeze %dma_start3A_1035 : memref<1x56xi32, #tpu.memory_space<vmem>> -> memref<56xi32, #tpu.memory_space<vmem>>
        %dma_start3A_1037 = arith.constant 0 : i32
        %dma_start3A_1038 = arith.constant 0 : i32
        %dma_start3A_1039 = tpu.memref_slice %arg3[%dma_start3A_1037, %dma_start3A_1038] : memref<1000000x64xf32, #tpu.memory_space<hbm>> -> memref<1000000x64xf32, #tpu.memory_space<hbm>>
        tpu.enqueue_indirect_dma source(%dma_start3A_1039 : memref<1000000x64xf32, #tpu.memory_space<hbm>>) target(%dma_start3A_1033 : memref<56x64xf32, #tpu.memory_space<vmem>>) offsets(%dma_start3A_1036 : memref<56xi32, #tpu.memory_space<vmem>>) semaphore(%arg9 : memref<!tpu.dma_semaphore, #tpu.memory_space<semaphore_mem>>)
        %mul3A_1040 = arith.constant 8 : i32
        %mul3A_1041 = arith.muli %add3A_961, %mul3A_1040 : i32
        %add3A_1042 = arith.constant 6 : i32
        %add3A_1043 = arith.addi %mul3A_1041, %add3A_1042 : i32
        %dma_start3A_1044 = arith.constant 336 : i32
        %dma_start3A_1045 = arith.constant 0 : i32
        %dma_start3A_1046 = tpu.memref_slice %arg7[%dma_start3A_1044, %dma_start3A_1045] : memref<448x64xf32, #tpu.memory_space<vmem>> -> memref<56x64xf32, #tpu.memory_space<vmem>>
        %dma_start3A_1047 = arith.constant 0 : i32
        %dma_start3A_1048 = tpu.memref_slice %arg5[%add3A_1043, %dma_start3A_1047] : memref<512x128xi32, #tpu.memory_space<vmem>> -> memref<1x56xi32, #tpu.memory_space<vmem>>
        %dma_start3A_1049 = tpu.memref_squeeze %dma_start3A_1048 : memref<1x56xi32, #tpu.memory_space<vmem>> -> memref<56xi32, #tpu.memory_space<vmem>>
        %dma_start3A_1050 = arith.constant 0 : i32
        %dma_start3A_1051 = arith.constant 0 : i32
        %dma_start3A_1052 = tpu.memref_slice %arg3[%dma_start3A_1050, %dma_start3A_1051] : memref<1000000x64xf32, #tpu.memory_space<hbm>> -> memref<1000000x64xf32, #tpu.memory_space<hbm>>
        tpu.enqueue_indirect_dma source(%dma_start3A_1052 : memref<1000000x64xf32, #tpu.memory_space<hbm>>) target(%dma_start3A_1046 : memref<56x64xf32, #tpu.memory_space<vmem>>) offsets(%dma_start3A_1049 : memref<56xi32, #tpu.memory_space<vmem>>) semaphore(%arg9 : memref<!tpu.dma_semaphore, #tpu.memory_space<semaphore_mem>>)
        %mul3A_1053 = arith.constant 8 : i32
        %mul3A_1054 = arith.muli %add3A_961, %mul3A_1053 : i32
        %add3A_1055 = arith.constant 7 : i32
        %add3A_1056 = arith.addi %mul3A_1054, %add3A_1055 : i32
        %dma_start3A_1057 = arith.constant 392 : i32
        %dma_start3A_1058 = arith.constant 0 : i32
        %dma_start3A_1059 = tpu.memref_slice %arg7[%dma_start3A_1057, %dma_start3A_1058] : memref<448x64xf32, #tpu.memory_space<vmem>> -> memref<56x64xf32, #tpu.memory_space<vmem>>
        %dma_start3A_1060 = arith.constant 0 : i32
        %dma_start3A_1061 = tpu.memref_slice %arg5[%add3A_1056, %dma_start3A_1060] : memref<512x128xi32, #tpu.memory_space<vmem>> -> memref<1x56xi32, #tpu.memory_space<vmem>>
        %dma_start3A_1062 = tpu.memref_squeeze %dma_start3A_1061 : memref<1x56xi32, #tpu.memory_space<vmem>> -> memref<56xi32, #tpu.memory_space<vmem>>
        %dma_start3A_1063 = arith.constant 0 : i32
        %dma_start3A_1064 = arith.constant 0 : i32
        %dma_start3A_1065 = tpu.memref_slice %arg3[%dma_start3A_1063, %dma_start3A_1064] : memref<1000000x64xf32, #tpu.memory_space<hbm>> -> memref<1000000x64xf32, #tpu.memory_space<hbm>>
        tpu.enqueue_indirect_dma source(%dma_start3A_1065 : memref<1000000x64xf32, #tpu.memory_space<hbm>>) target(%dma_start3A_1059 : memref<56x64xf32, #tpu.memory_space<vmem>>) offsets(%dma_start3A_1062 : memref<56xi32, #tpu.memory_space<vmem>>) semaphore(%arg9 : memref<!tpu.dma_semaphore, #tpu.memory_space<semaphore_mem>>)
      } else {
      }
    }
    %scan3A_166 = arith.constant 32 : i32
    %dma_wait3A = arith.constant 0 : i32
    %dma_wait3A_167 = arith.constant 0 : i32
    %dma_wait3A_168 = arith.constant 0 : i32
    %dma_wait3A_169 = tpu.memref_slice %arg6[%dma_wait3A_167, %dma_wait3A_168] : memref<448x64xf32, #tpu.memory_space<vmem>> -> memref<50x64xf32, #tpu.memory_space<vmem>>
    %dma_wait3A_170 = arith.constant 0 : i32
    %dma_wait3A_171 = arith.constant 0 : i32
    %dma_wait3A_172 = tpu.memref_slice %arg4[%add3A, %dma_wait3A, %dma_wait3A_170, %dma_wait3A_171] : memref<32x64x400x64xf32, #tpu.memory_space<hbm>> -> memref<1x1x50x64xf32, #tpu.memory_space<hbm>>
    %dma_wait3A_173 = tpu.memref_squeeze %dma_wait3A_172 : memref<1x1x50x64xf32, #tpu.memory_space<hbm>> -> memref<50x64xf32, #tpu.memory_space<hbm>>
    %dma_wait3A_174 = arith.constant 0 : i32
    %dma_wait3A_175 = arith.constant 0 : i32
    %dma_wait3A_176 = tpu.memref_slice %arg4[%add3A, %dma_wait3A, %dma_wait3A_174, %dma_wait3A_175] : memref<32x64x400x64xf32, #tpu.memory_space<hbm>> -> memref<1x1x50x64xf32, #tpu.memory_space<hbm>>
    %dma_wait3A_177 = tpu.memref_squeeze %dma_wait3A_176 : memref<1x1x50x64xf32, #tpu.memory_space<hbm>> -> memref<50x64xf32, #tpu.memory_space<hbm>>
    %dma_wait3A_178 = arith.constant 0 : i32
    %dma_wait3A_179 = arith.constant 0 : i32
    %dma_wait3A_180 = tpu.memref_slice %arg6[%dma_wait3A_178, %dma_wait3A_179] : memref<448x64xf32, #tpu.memory_space<vmem>> -> memref<50x64xf32, #tpu.memory_space<vmem>>
    tpu.wait_dma2 semaphore(%arg10 : memref<!tpu.dma_semaphore, #tpu.memory_space<semaphore_mem>>) src(%dma_wait3A_180 : memref<50x64xf32, #tpu.memory_space<vmem>>) dst(%dma_wait3A_177 : memref<50x64xf32, #tpu.memory_space<hbm>>)
    %dma_wait3A_181 = arith.constant 0 : i32
    %dma_wait3A_182 = arith.constant 0 : i32
    %dma_wait3A_183 = arith.constant 0 : i32
    %dma_wait3A_184 = tpu.memref_slice %arg6[%dma_wait3A_182, %dma_wait3A_183] : memref<448x64xf32, #tpu.memory_space<vmem>> -> memref<50x64xf32, #tpu.memory_space<vmem>>
    %dma_wait3A_185 = arith.constant 0 : i32
    %dma_wait3A_186 = arith.constant 0 : i32
    %dma_wait3A_187 = tpu.memref_slice %arg4[%add3A, %dma_wait3A_181, %dma_wait3A_185, %dma_wait3A_186] : memref<32x64x400x64xf32, #tpu.memory_space<hbm>> -> memref<1x1x50x64xf32, #tpu.memory_space<hbm>>
    %dma_wait3A_188 = tpu.memref_squeeze %dma_wait3A_187 : memref<1x1x50x64xf32, #tpu.memory_space<hbm>> -> memref<50x64xf32, #tpu.memory_space<hbm>>
    %dma_wait3A_189 = arith.constant 0 : i32
    %dma_wait3A_190 = arith.constant 0 : i32
    %dma_wait3A_191 = tpu.memref_slice %arg4[%add3A, %dma_wait3A_181, %dma_wait3A_189, %dma_wait3A_190] : memref<32x64x400x64xf32, #tpu.memory_space<hbm>> -> memref<1x1x50x64xf32, #tpu.memory_space<hbm>>
    %dma_wait3A_192 = tpu.memref_squeeze %dma_wait3A_191 : memref<1x1x50x64xf32, #tpu.memory_space<hbm>> -> memref<50x64xf32, #tpu.memory_space<hbm>>
    %dma_wait3A_193 = arith.constant 0 : i32
    %dma_wait3A_194 = arith.constant 0 : i32
    %dma_wait3A_195 = tpu.memref_slice %arg6[%dma_wait3A_193, %dma_wait3A_194] : memref<448x64xf32, #tpu.memory_space<vmem>> -> memref<50x64xf32, #tpu.memory_space<vmem>>
    tpu.wait_dma2 semaphore(%arg10 : memref<!tpu.dma_semaphore, #tpu.memory_space<semaphore_mem>>) src(%dma_wait3A_195 : memref<50x64xf32, #tpu.memory_space<vmem>>) dst(%dma_wait3A_192 : memref<50x64xf32, #tpu.memory_space<hbm>>)
    %dma_wait3A_196 = arith.constant 0 : i32
    %dma_wait3A_197 = arith.constant 0 : i32
    %dma_wait3A_198 = arith.constant 0 : i32
    %dma_wait3A_199 = tpu.memref_slice %arg6[%dma_wait3A_197, %dma_wait3A_198] : memref<448x64xf32, #tpu.memory_space<vmem>> -> memref<50x64xf32, #tpu.memory_space<vmem>>
    %dma_wait3A_200 = arith.constant 0 : i32
    %dma_wait3A_201 = arith.constant 0 : i32
    %dma_wait3A_202 = tpu.memref_slice %arg4[%add3A, %dma_wait3A_196, %dma_wait3A_200, %dma_wait3A_201] : memref<32x64x400x64xf32, #tpu.memory_space<hbm>> -> memref<1x1x50x64xf32, #tpu.memory_space<hbm>>
    %dma_wait3A_203 = tpu.memref_squeeze %dma_wait3A_202 : memref<1x1x50x64xf32, #tpu.memory_space<hbm>> -> memref<50x64xf32, #tpu.memory_space<hbm>>
    %dma_wait3A_204 = arith.constant 0 : i32
    %dma_wait3A_205 = arith.constant 0 : i32
    %dma_wait3A_206 = tpu.memref_slice %arg4[%add3A, %dma_wait3A_196, %dma_wait3A_204, %dma_wait3A_205] : memref<32x64x400x64xf32, #tpu.memory_space<hbm>> -> memref<1x1x50x64xf32, #tpu.memory_space<hbm>>
    %dma_wait3A_207 = tpu.memref_squeeze %dma_wait3A_206 : memref<1x1x50x64xf32, #tpu.memory_space<hbm>> -> memref<50x64xf32, #tpu.memory_space<hbm>>
    %dma_wait3A_208 = arith.constant 0 : i32
    %dma_wait3A_209 = arith.constant 0 : i32
    %dma_wait3A_210 = tpu.memref_slice %arg6[%dma_wait3A_208, %dma_wait3A_209] : memref<448x64xf32, #tpu.memory_space<vmem>> -> memref<50x64xf32, #tpu.memory_space<vmem>>
    tpu.wait_dma2 semaphore(%arg10 : memref<!tpu.dma_semaphore, #tpu.memory_space<semaphore_mem>>) src(%dma_wait3A_210 : memref<50x64xf32, #tpu.memory_space<vmem>>) dst(%dma_wait3A_207 : memref<50x64xf32, #tpu.memory_space<hbm>>)
    %dma_wait3A_211 = arith.constant 0 : i32
    %dma_wait3A_212 = arith.constant 0 : i32
    %dma_wait3A_213 = arith.constant 0 : i32
    %dma_wait3A_214 = tpu.memref_slice %arg6[%dma_wait3A_212, %dma_wait3A_213] : memref<448x64xf32, #tpu.memory_space<vmem>> -> memref<50x64xf32, #tpu.memory_space<vmem>>
    %dma_wait3A_215 = arith.constant 0 : i32
    %dma_wait3A_216 = arith.constant 0 : i32
    %dma_wait3A_217 = tpu.memref_slice %arg4[%add3A, %dma_wait3A_211, %dma_wait3A_215, %dma_wait3A_216] : memref<32x64x400x64xf32, #tpu.memory_space<hbm>> -> memref<1x1x50x64xf32, #tpu.memory_space<hbm>>
    %dma_wait3A_218 = tpu.memref_squeeze %dma_wait3A_217 : memref<1x1x50x64xf32, #tpu.memory_space<hbm>> -> memref<50x64xf32, #tpu.memory_space<hbm>>
    %dma_wait3A_219 = arith.constant 0 : i32
    %dma_wait3A_220 = arith.constant 0 : i32
    %dma_wait3A_221 = tpu.memref_slice %arg4[%add3A, %dma_wait3A_211, %dma_wait3A_219, %dma_wait3A_220] : memref<32x64x400x64xf32, #tpu.memory_space<hbm>> -> memref<1x1x50x64xf32, #tpu.memory_space<hbm>>
    %dma_wait3A_222 = tpu.memref_squeeze %dma_wait3A_221 : memref<1x1x50x64xf32, #tpu.memory_space<hbm>> -> memref<50x64xf32, #tpu.memory_space<hbm>>
    %dma_wait3A_223 = arith.constant 0 : i32
    %dma_wait3A_224 = arith.constant 0 : i32
    %dma_wait3A_225 = tpu.memref_slice %arg6[%dma_wait3A_223, %dma_wait3A_224] : memref<448x64xf32, #tpu.memory_space<vmem>> -> memref<50x64xf32, #tpu.memory_space<vmem>>
    tpu.wait_dma2 semaphore(%arg10 : memref<!tpu.dma_semaphore, #tpu.memory_space<semaphore_mem>>) src(%dma_wait3A_225 : memref<50x64xf32, #tpu.memory_space<vmem>>) dst(%dma_wait3A_222 : memref<50x64xf32, #tpu.memory_space<hbm>>)
    %dma_wait3A_226 = arith.constant 0 : i32
    %dma_wait3A_227 = arith.constant 0 : i32
    %dma_wait3A_228 = arith.constant 0 : i32
    %dma_wait3A_229 = tpu.memref_slice %arg6[%dma_wait3A_227, %dma_wait3A_228] : memref<448x64xf32, #tpu.memory_space<vmem>> -> memref<50x64xf32, #tpu.memory_space<vmem>>
    %dma_wait3A_230 = arith.constant 0 : i32
    %dma_wait3A_231 = arith.constant 0 : i32
    %dma_wait3A_232 = tpu.memref_slice %arg4[%add3A, %dma_wait3A_226, %dma_wait3A_230, %dma_wait3A_231] : memref<32x64x400x64xf32, #tpu.memory_space<hbm>> -> memref<1x1x50x64xf32, #tpu.memory_space<hbm>>
    %dma_wait3A_233 = tpu.memref_squeeze %dma_wait3A_232 : memref<1x1x50x64xf32, #tpu.memory_space<hbm>> -> memref<50x64xf32, #tpu.memory_space<hbm>>
    %dma_wait3A_234 = arith.constant 0 : i32
    %dma_wait3A_235 = arith.constant 0 : i32
    %dma_wait3A_236 = tpu.memref_slice %arg4[%add3A, %dma_wait3A_226, %dma_wait3A_234, %dma_wait3A_235] : memref<32x64x400x64xf32, #tpu.memory_space<hbm>> -> memref<1x1x50x64xf32, #tpu.memory_space<hbm>>
    %dma_wait3A_237 = tpu.memref_squeeze %dma_wait3A_236 : memref<1x1x50x64xf32, #tpu.memory_space<hbm>> -> memref<50x64xf32, #tpu.memory_space<hbm>>
    %dma_wait3A_238 = arith.constant 0 : i32
    %dma_wait3A_239 = arith.constant 0 : i32
    %dma_wait3A_240 = tpu.memref_slice %arg6[%dma_wait3A_238, %dma_wait3A_239] : memref<448x64xf32, #tpu.memory_space<vmem>> -> memref<50x64xf32, #tpu.memory_space<vmem>>
    tpu.wait_dma2 semaphore(%arg10 : memref<!tpu.dma_semaphore, #tpu.memory_space<semaphore_mem>>) src(%dma_wait3A_240 : memref<50x64xf32, #tpu.memory_space<vmem>>) dst(%dma_wait3A_237 : memref<50x64xf32, #tpu.memory_space<hbm>>)
    %dma_wait3A_241 = arith.constant 0 : i32
    %dma_wait3A_242 = arith.constant 0 : i32
    %dma_wait3A_243 = arith.constant 0 : i32
    %dma_wait3A_244 = tpu.memref_slice %arg6[%dma_wait3A_242, %dma_wait3A_243] : memref<448x64xf32, #tpu.memory_space<vmem>> -> memref<50x64xf32, #tpu.memory_space<vmem>>
    %dma_wait3A_245 = arith.constant 0 : i32
    %dma_wait3A_246 = arith.constant 0 : i32
    %dma_wait3A_247 = tpu.memref_slice %arg4[%add3A, %dma_wait3A_241, %dma_wait3A_245, %dma_wait3A_246] : memref<32x64x400x64xf32, #tpu.memory_space<hbm>> -> memref<1x1x50x64xf32, #tpu.memory_space<hbm>>
    %dma_wait3A_248 = tpu.memref_squeeze %dma_wait3A_247 : memref<1x1x50x64xf32, #tpu.memory_space<hbm>> -> memref<50x64xf32, #tpu.memory_space<hbm>>
    %dma_wait3A_249 = arith.constant 0 : i32
    %dma_wait3A_250 = arith.constant 0 : i32
    %dma_wait3A_251 = tpu.memref_slice %arg4[%add3A, %dma_wait3A_241, %dma_wait3A_249, %dma_wait3A_250] : memref<32x64x400x64xf32, #tpu.memory_space<hbm>> -> memref<1x1x50x64xf32, #tpu.memory_space<hbm>>
    %dma_wait3A_252 = tpu.memref_squeeze %dma_wait3A_251 : memref<1x1x50x64xf32, #tpu.memory_space<hbm>> -> memref<50x64xf32, #tpu.memory_space<hbm>>
    %dma_wait3A_253 = arith.constant 0 : i32
    %dma_wait3A_254 = arith.constant 0 : i32
    %dma_wait3A_255 = tpu.memref_slice %arg6[%dma_wait3A_253, %dma_wait3A_254] : memref<448x64xf32, #tpu.memory_space<vmem>> -> memref<50x64xf32, #tpu.memory_space<vmem>>
    tpu.wait_dma2 semaphore(%arg10 : memref<!tpu.dma_semaphore, #tpu.memory_space<semaphore_mem>>) src(%dma_wait3A_255 : memref<50x64xf32, #tpu.memory_space<vmem>>) dst(%dma_wait3A_252 : memref<50x64xf32, #tpu.memory_space<hbm>>)
    %dma_wait3A_256 = arith.constant 0 : i32
    %dma_wait3A_257 = arith.constant 0 : i32
    %dma_wait3A_258 = arith.constant 0 : i32
    %dma_wait3A_259 = tpu.memref_slice %arg6[%dma_wait3A_257, %dma_wait3A_258] : memref<448x64xf32, #tpu.memory_space<vmem>> -> memref<50x64xf32, #tpu.memory_space<vmem>>
    %dma_wait3A_260 = arith.constant 0 : i32
    %dma_wait3A_261 = arith.constant 0 : i32
    %dma_wait3A_262 = tpu.memref_slice %arg4[%add3A, %dma_wait3A_256, %dma_wait3A_260, %dma_wait3A_261] : memref<32x64x400x64xf32, #tpu.memory_space<hbm>> -> memref<1x1x50x64xf32, #tpu.memory_space<hbm>>
    %dma_wait3A_263 = tpu.memref_squeeze %dma_wait3A_262 : memref<1x1x50x64xf32, #tpu.memory_space<hbm>> -> memref<50x64xf32, #tpu.memory_space<hbm>>
    %dma_wait3A_264 = arith.constant 0 : i32
    %dma_wait3A_265 = arith.constant 0 : i32
    %dma_wait3A_266 = tpu.memref_slice %arg4[%add3A, %dma_wait3A_256, %dma_wait3A_264, %dma_wait3A_265] : memref<32x64x400x64xf32, #tpu.memory_space<hbm>> -> memref<1x1x50x64xf32, #tpu.memory_space<hbm>>
    %dma_wait3A_267 = tpu.memref_squeeze %dma_wait3A_266 : memref<1x1x50x64xf32, #tpu.memory_space<hbm>> -> memref<50x64xf32, #tpu.memory_space<hbm>>
    %dma_wait3A_268 = arith.constant 0 : i32
    %dma_wait3A_269 = arith.constant 0 : i32
    %dma_wait3A_270 = tpu.memref_slice %arg6[%dma_wait3A_268, %dma_wait3A_269] : memref<448x64xf32, #tpu.memory_space<vmem>> -> memref<50x64xf32, #tpu.memory_space<vmem>>
    tpu.wait_dma2 semaphore(%arg10 : memref<!tpu.dma_semaphore, #tpu.memory_space<semaphore_mem>>) src(%dma_wait3A_270 : memref<50x64xf32, #tpu.memory_space<vmem>>) dst(%dma_wait3A_267 : memref<50x64xf32, #tpu.memory_space<hbm>>)
    %dma_wait3A_271 = arith.constant 0 : i32
    %dma_wait3A_272 = arith.constant 0 : i32
    %dma_wait3A_273 = arith.constant 0 : i32
    %dma_wait3A_274 = tpu.memref_slice %arg6[%dma_wait3A_272, %dma_wait3A_273] : memref<448x64xf32, #tpu.memory_space<vmem>> -> memref<50x64xf32, #tpu.memory_space<vmem>>
    %dma_wait3A_275 = arith.constant 0 : i32
    %dma_wait3A_276 = arith.constant 0 : i32
    %dma_wait3A_277 = tpu.memref_slice %arg4[%add3A, %dma_wait3A_271, %dma_wait3A_275, %dma_wait3A_276] : memref<32x64x400x64xf32, #tpu.memory_space<hbm>> -> memref<1x1x50x64xf32, #tpu.memory_space<hbm>>
    %dma_wait3A_278 = tpu.memref_squeeze %dma_wait3A_277 : memref<1x1x50x64xf32, #tpu.memory_space<hbm>> -> memref<50x64xf32, #tpu.memory_space<hbm>>
    %dma_wait3A_279 = arith.constant 0 : i32
    %dma_wait3A_280 = arith.constant 0 : i32
    %dma_wait3A_281 = tpu.memref_slice %arg4[%add3A, %dma_wait3A_271, %dma_wait3A_279, %dma_wait3A_280] : memref<32x64x400x64xf32, #tpu.memory_space<hbm>> -> memref<1x1x50x64xf32, #tpu.memory_space<hbm>>
    %dma_wait3A_282 = tpu.memref_squeeze %dma_wait3A_281 : memref<1x1x50x64xf32, #tpu.memory_space<hbm>> -> memref<50x64xf32, #tpu.memory_space<hbm>>
    %dma_wait3A_283 = arith.constant 0 : i32
    %dma_wait3A_284 = arith.constant 0 : i32
    %dma_wait3A_285 = tpu.memref_slice %arg6[%dma_wait3A_283, %dma_wait3A_284] : memref<448x64xf32, #tpu.memory_space<vmem>> -> memref<50x64xf32, #tpu.memory_space<vmem>>
    tpu.wait_dma2 semaphore(%arg10 : memref<!tpu.dma_semaphore, #tpu.memory_space<semaphore_mem>>) src(%dma_wait3A_285 : memref<50x64xf32, #tpu.memory_space<vmem>>) dst(%dma_wait3A_282 : memref<50x64xf32, #tpu.memory_space<hbm>>)
    %dma_wait3A_286 = arith.constant 0 : i32
    %dma_wait3A_287 = arith.constant 0 : i32
    %dma_wait3A_288 = arith.constant 0 : i32
    %dma_wait3A_289 = tpu.memref_slice %arg7[%dma_wait3A_287, %dma_wait3A_288] : memref<448x64xf32, #tpu.memory_space<vmem>> -> memref<50x64xf32, #tpu.memory_space<vmem>>
    %dma_wait3A_290 = arith.constant 0 : i32
    %dma_wait3A_291 = arith.constant 0 : i32
    %dma_wait3A_292 = tpu.memref_slice %arg4[%add3A, %dma_wait3A_286, %dma_wait3A_290, %dma_wait3A_291] : memref<32x64x400x64xf32, #tpu.memory_space<hbm>> -> memref<1x1x50x64xf32, #tpu.memory_space<hbm>>
    %dma_wait3A_293 = tpu.memref_squeeze %dma_wait3A_292 : memref<1x1x50x64xf32, #tpu.memory_space<hbm>> -> memref<50x64xf32, #tpu.memory_space<hbm>>
    %dma_wait3A_294 = arith.constant 0 : i32
    %dma_wait3A_295 = arith.constant 0 : i32
    %dma_wait3A_296 = tpu.memref_slice %arg4[%add3A, %dma_wait3A_286, %dma_wait3A_294, %dma_wait3A_295] : memref<32x64x400x64xf32, #tpu.memory_space<hbm>> -> memref<1x1x50x64xf32, #tpu.memory_space<hbm>>
    %dma_wait3A_297 = tpu.memref_squeeze %dma_wait3A_296 : memref<1x1x50x64xf32, #tpu.memory_space<hbm>> -> memref<50x64xf32, #tpu.memory_space<hbm>>
    %dma_wait3A_298 = arith.constant 0 : i32
    %dma_wait3A_299 = arith.constant 0 : i32
    %dma_wait3A_300 = tpu.memref_slice %arg7[%dma_wait3A_298, %dma_wait3A_299] : memref<448x64xf32, #tpu.memory_space<vmem>> -> memref<50x64xf32, #tpu.memory_space<vmem>>
    tpu.wait_dma2 semaphore(%arg11 : memref<!tpu.dma_semaphore, #tpu.memory_space<semaphore_mem>>) src(%dma_wait3A_300 : memref<50x64xf32, #tpu.memory_space<vmem>>) dst(%dma_wait3A_297 : memref<50x64xf32, #tpu.memory_space<hbm>>)
    %dma_wait3A_301 = arith.constant 0 : i32
    %dma_wait3A_302 = arith.constant 0 : i32
    %dma_wait3A_303 = arith.constant 0 : i32
    %dma_wait3A_304 = tpu.memref_slice %arg7[%dma_wait3A_302, %dma_wait3A_303] : memref<448x64xf32, #tpu.memory_space<vmem>> -> memref<50x64xf32, #tpu.memory_space<vmem>>
    %dma_wait3A_305 = arith.constant 0 : i32
    %dma_wait3A_306 = arith.constant 0 : i32
    %dma_wait3A_307 = tpu.memref_slice %arg4[%add3A, %dma_wait3A_301, %dma_wait3A_305, %dma_wait3A_306] : memref<32x64x400x64xf32, #tpu.memory_space<hbm>> -> memref<1x1x50x64xf32, #tpu.memory_space<hbm>>
    %dma_wait3A_308 = tpu.memref_squeeze %dma_wait3A_307 : memref<1x1x50x64xf32, #tpu.memory_space<hbm>> -> memref<50x64xf32, #tpu.memory_space<hbm>>
    %dma_wait3A_309 = arith.constant 0 : i32
    %dma_wait3A_310 = arith.constant 0 : i32
    %dma_wait3A_311 = tpu.memref_slice %arg4[%add3A, %dma_wait3A_301, %dma_wait3A_309, %dma_wait3A_310] : memref<32x64x400x64xf32, #tpu.memory_space<hbm>> -> memref<1x1x50x64xf32, #tpu.memory_space<hbm>>
    %dma_wait3A_312 = tpu.memref_squeeze %dma_wait3A_311 : memref<1x1x50x64xf32, #tpu.memory_space<hbm>> -> memref<50x64xf32, #tpu.memory_space<hbm>>
    %dma_wait3A_313 = arith.constant 0 : i32
    %dma_wait3A_314 = arith.constant 0 : i32
    %dma_wait3A_315 = tpu.memref_slice %arg7[%dma_wait3A_313, %dma_wait3A_314] : memref<448x64xf32, #tpu.memory_space<vmem>> -> memref<50x64xf32, #tpu.memory_space<vmem>>
    tpu.wait_dma2 semaphore(%arg11 : memref<!tpu.dma_semaphore, #tpu.memory_space<semaphore_mem>>) src(%dma_wait3A_315 : memref<50x64xf32, #tpu.memory_space<vmem>>) dst(%dma_wait3A_312 : memref<50x64xf32, #tpu.memory_space<hbm>>)
    %dma_wait3A_316 = arith.constant 0 : i32
    %dma_wait3A_317 = arith.constant 0 : i32
    %dma_wait3A_318 = arith.constant 0 : i32
    %dma_wait3A_319 = tpu.memref_slice %arg7[%dma_wait3A_317, %dma_wait3A_318] : memref<448x64xf32, #tpu.memory_space<vmem>> -> memref<50x64xf32, #tpu.memory_space<vmem>>
    %dma_wait3A_320 = arith.constant 0 : i32
    %dma_wait3A_321 = arith.constant 0 : i32
    %dma_wait3A_322 = tpu.memref_slice %arg4[%add3A, %dma_wait3A_316, %dma_wait3A_320, %dma_wait3A_321] : memref<32x64x400x64xf32, #tpu.memory_space<hbm>> -> memref<1x1x50x64xf32, #tpu.memory_space<hbm>>
    %dma_wait3A_323 = tpu.memref_squeeze %dma_wait3A_322 : memref<1x1x50x64xf32, #tpu.memory_space<hbm>> -> memref<50x64xf32, #tpu.memory_space<hbm>>
    %dma_wait3A_324 = arith.constant 0 : i32
    %dma_wait3A_325 = arith.constant 0 : i32
    %dma_wait3A_326 = tpu.memref_slice %arg4[%add3A, %dma_wait3A_316, %dma_wait3A_324, %dma_wait3A_325] : memref<32x64x400x64xf32, #tpu.memory_space<hbm>> -> memref<1x1x50x64xf32, #tpu.memory_space<hbm>>
    %dma_wait3A_327 = tpu.memref_squeeze %dma_wait3A_326 : memref<1x1x50x64xf32, #tpu.memory_space<hbm>> -> memref<50x64xf32, #tpu.memory_space<hbm>>
    %dma_wait3A_328 = arith.constant 0 : i32
    %dma_wait3A_329 = arith.constant 0 : i32
    %dma_wait3A_330 = tpu.memref_slice %arg7[%dma_wait3A_328, %dma_wait3A_329] : memref<448x64xf32, #tpu.memory_space<vmem>> -> memref<50x64xf32, #tpu.memory_space<vmem>>
    tpu.wait_dma2 semaphore(%arg11 : memref<!tpu.dma_semaphore, #tpu.memory_space<semaphore_mem>>) src(%dma_wait3A_330 : memref<50x64xf32, #tpu.memory_space<vmem>>) dst(%dma_wait3A_327 : memref<50x64xf32, #tpu.memory_space<hbm>>)
    %dma_wait3A_331 = arith.constant 0 : i32
    %dma_wait3A_332 = arith.constant 0 : i32
    %dma_wait3A_333 = arith.constant 0 : i32
    %dma_wait3A_334 = tpu.memref_slice %arg7[%dma_wait3A_332, %dma_wait3A_333] : memref<448x64xf32, #tpu.memory_space<vmem>> -> memref<50x64xf32, #tpu.memory_space<vmem>>
    %dma_wait3A_335 = arith.constant 0 : i32
    %dma_wait3A_336 = arith.constant 0 : i32
    %dma_wait3A_337 = tpu.memref_slice %arg4[%add3A, %dma_wait3A_331, %dma_wait3A_335, %dma_wait3A_336] : memref<32x64x400x64xf32, #tpu.memory_space<hbm>> -> memref<1x1x50x64xf32, #tpu.memory_space<hbm>>
    %dma_wait3A_338 = tpu.memref_squeeze %dma_wait3A_337 : memref<1x1x50x64xf32, #tpu.memory_space<hbm>> -> memref<50x64xf32, #tpu.memory_space<hbm>>
    %dma_wait3A_339 = arith.constant 0 : i32
    %dma_wait3A_340 = arith.constant 0 : i32
    %dma_wait3A_341 = tpu.memref_slice %arg4[%add3A, %dma_wait3A_331, %dma_wait3A_339, %dma_wait3A_340] : memref<32x64x400x64xf32, #tpu.memory_space<hbm>> -> memref<1x1x50x64xf32, #tpu.memory_space<hbm>>
    %dma_wait3A_342 = tpu.memref_squeeze %dma_wait3A_341 : memref<1x1x50x64xf32, #tpu.memory_space<hbm>> -> memref<50x64xf32, #tpu.memory_space<hbm>>
    %dma_wait3A_343 = arith.constant 0 : i32
    %dma_wait3A_344 = arith.constant 0 : i32
    %dma_wait3A_345 = tpu.memref_slice %arg7[%dma_wait3A_343, %dma_wait3A_344] : memref<448x64xf32, #tpu.memory_space<vmem>> -> memref<50x64xf32, #tpu.memory_space<vmem>>
    tpu.wait_dma2 semaphore(%arg11 : memref<!tpu.dma_semaphore, #tpu.memory_space<semaphore_mem>>) src(%dma_wait3A_345 : memref<50x64xf32, #tpu.memory_space<vmem>>) dst(%dma_wait3A_342 : memref<50x64xf32, #tpu.memory_space<hbm>>)
    %dma_wait3A_346 = arith.constant 0 : i32
    %dma_wait3A_347 = arith.constant 0 : i32
    %dma_wait3A_348 = arith.constant 0 : i32
    %dma_wait3A_349 = tpu.memref_slice %arg7[%dma_wait3A_347, %dma_wait3A_348] : memref<448x64xf32, #tpu.memory_space<vmem>> -> memref<50x64xf32, #tpu.memory_space<vmem>>
    %dma_wait3A_350 = arith.constant 0 : i32
    %dma_wait3A_351 = arith.constant 0 : i32
    %dma_wait3A_352 = tpu.memref_slice %arg4[%add3A, %dma_wait3A_346, %dma_wait3A_350, %dma_wait3A_351] : memref<32x64x400x64xf32, #tpu.memory_space<hbm>> -> memref<1x1x50x64xf32, #tpu.memory_space<hbm>>
    %dma_wait3A_353 = tpu.memref_squeeze %dma_wait3A_352 : memref<1x1x50x64xf32, #tpu.memory_space<hbm>> -> memref<50x64xf32, #tpu.memory_space<hbm>>
    %dma_wait3A_354 = arith.constant 0 : i32
    %dma_wait3A_355 = arith.constant 0 : i32
    %dma_wait3A_356 = tpu.memref_slice %arg4[%add3A, %dma_wait3A_346, %dma_wait3A_354, %dma_wait3A_355] : memref<32x64x400x64xf32, #tpu.memory_space<hbm>> -> memref<1x1x50x64xf32, #tpu.memory_space<hbm>>
    %dma_wait3A_357 = tpu.memref_squeeze %dma_wait3A_356 : memref<1x1x50x64xf32, #tpu.memory_space<hbm>> -> memref<50x64xf32, #tpu.memory_space<hbm>>
    %dma_wait3A_358 = arith.constant 0 : i32
    %dma_wait3A_359 = arith.constant 0 : i32
    %dma_wait3A_360 = tpu.memref_slice %arg7[%dma_wait3A_358, %dma_wait3A_359] : memref<448x64xf32, #tpu.memory_space<vmem>> -> memref<50x64xf32, #tpu.memory_space<vmem>>
    tpu.wait_dma2 semaphore(%arg11 : memref<!tpu.dma_semaphore, #tpu.memory_space<semaphore_mem>>) src(%dma_wait3A_360 : memref<50x64xf32, #tpu.memory_space<vmem>>) dst(%dma_wait3A_357 : memref<50x64xf32, #tpu.memory_space<hbm>>)
    %dma_wait3A_361 = arith.constant 0 : i32
    %dma_wait3A_362 = arith.constant 0 : i32
    %dma_wait3A_363 = arith.constant 0 : i32
    %dma_wait3A_364 = tpu.memref_slice %arg7[%dma_wait3A_362, %dma_wait3A_363] : memref<448x64xf32, #tpu.memory_space<vmem>> -> memref<50x64xf32, #tpu.memory_space<vmem>>
    %dma_wait3A_365 = arith.constant 0 : i32
    %dma_wait3A_366 = arith.constant 0 : i32
    %dma_wait3A_367 = tpu.memref_slice %arg4[%add3A, %dma_wait3A_361, %dma_wait3A_365, %dma_wait3A_366] : memref<32x64x400x64xf32, #tpu.memory_space<hbm>> -> memref<1x1x50x64xf32, #tpu.memory_space<hbm>>
    %dma_wait3A_368 = tpu.memref_squeeze %dma_wait3A_367 : memref<1x1x50x64xf32, #tpu.memory_space<hbm>> -> memref<50x64xf32, #tpu.memory_space<hbm>>
    %dma_wait3A_369 = arith.constant 0 : i32
    %dma_wait3A_370 = arith.constant 0 : i32
    %dma_wait3A_371 = tpu.memref_slice %arg4[%add3A, %dma_wait3A_361, %dma_wait3A_369, %dma_wait3A_370] : memref<32x64x400x64xf32, #tpu.memory_space<hbm>> -> memref<1x1x50x64xf32, #tpu.memory_space<hbm>>
    %dma_wait3A_372 = tpu.memref_squeeze %dma_wait3A_371 : memref<1x1x50x64xf32, #tpu.memory_space<hbm>> -> memref<50x64xf32, #tpu.memory_space<hbm>>
    %dma_wait3A_373 = arith.constant 0 : i32
    %dma_wait3A_374 = arith.constant 0 : i32
    %dma_wait3A_375 = tpu.memref_slice %arg7[%dma_wait3A_373, %dma_wait3A_374] : memref<448x64xf32, #tpu.memory_space<vmem>> -> memref<50x64xf32, #tpu.memory_space<vmem>>
    tpu.wait_dma2 semaphore(%arg11 : memref<!tpu.dma_semaphore, #tpu.memory_space<semaphore_mem>>) src(%dma_wait3A_375 : memref<50x64xf32, #tpu.memory_space<vmem>>) dst(%dma_wait3A_372 : memref<50x64xf32, #tpu.memory_space<hbm>>)
    %dma_wait3A_376 = arith.constant 0 : i32
    %dma_wait3A_377 = arith.constant 0 : i32
    %dma_wait3A_378 = arith.constant 0 : i32
    %dma_wait3A_379 = tpu.memref_slice %arg7[%dma_wait3A_377, %dma_wait3A_378] : memref<448x64xf32, #tpu.memory_space<vmem>> -> memref<50x64xf32, #tpu.memory_space<vmem>>
    %dma_wait3A_380 = arith.constant 0 : i32
    %dma_wait3A_381 = arith.constant 0 : i32
    %dma_wait3A_382 = tpu.memref_slice %arg4[%add3A, %dma_wait3A_376, %dma_wait3A_380, %dma_wait3A_381] : memref<32x64x400x64xf32, #tpu.memory_space<hbm>> -> memref<1x1x50x64xf32, #tpu.memory_space<hbm>>
    %dma_wait3A_383 = tpu.memref_squeeze %dma_wait3A_382 : memref<1x1x50x64xf32, #tpu.memory_space<hbm>> -> memref<50x64xf32, #tpu.memory_space<hbm>>
    %dma_wait3A_384 = arith.constant 0 : i32
    %dma_wait3A_385 = arith.constant 0 : i32
    %dma_wait3A_386 = tpu.memref_slice %arg4[%add3A, %dma_wait3A_376, %dma_wait3A_384, %dma_wait3A_385] : memref<32x64x400x64xf32, #tpu.memory_space<hbm>> -> memref<1x1x50x64xf32, #tpu.memory_space<hbm>>
    %dma_wait3A_387 = tpu.memref_squeeze %dma_wait3A_386 : memref<1x1x50x64xf32, #tpu.memory_space<hbm>> -> memref<50x64xf32, #tpu.memory_space<hbm>>
    %dma_wait3A_388 = arith.constant 0 : i32
    %dma_wait3A_389 = arith.constant 0 : i32
    %dma_wait3A_390 = tpu.memref_slice %arg7[%dma_wait3A_388, %dma_wait3A_389] : memref<448x64xf32, #tpu.memory_space<vmem>> -> memref<50x64xf32, #tpu.memory_space<vmem>>
    tpu.wait_dma2 semaphore(%arg11 : memref<!tpu.dma_semaphore, #tpu.memory_space<semaphore_mem>>) src(%dma_wait3A_390 : memref<50x64xf32, #tpu.memory_space<vmem>>) dst(%dma_wait3A_387 : memref<50x64xf32, #tpu.memory_space<hbm>>)
    %dma_wait3A_391 = arith.constant 0 : i32
    %dma_wait3A_392 = arith.constant 0 : i32
    %dma_wait3A_393 = arith.constant 0 : i32
    %dma_wait3A_394 = tpu.memref_slice %arg7[%dma_wait3A_392, %dma_wait3A_393] : memref<448x64xf32, #tpu.memory_space<vmem>> -> memref<50x64xf32, #tpu.memory_space<vmem>>
    %dma_wait3A_395 = arith.constant 0 : i32
    %dma_wait3A_396 = arith.constant 0 : i32
    %dma_wait3A_397 = tpu.memref_slice %arg4[%add3A, %dma_wait3A_391, %dma_wait3A_395, %dma_wait3A_396] : memref<32x64x400x64xf32, #tpu.memory_space<hbm>> -> memref<1x1x50x64xf32, #tpu.memory_space<hbm>>
    %dma_wait3A_398 = tpu.memref_squeeze %dma_wait3A_397 : memref<1x1x50x64xf32, #tpu.memory_space<hbm>> -> memref<50x64xf32, #tpu.memory_space<hbm>>
    %dma_wait3A_399 = arith.constant 0 : i32
    %dma_wait3A_400 = arith.constant 0 : i32
    %dma_wait3A_401 = tpu.memref_slice %arg4[%add3A, %dma_wait3A_391, %dma_wait3A_399, %dma_wait3A_400] : memref<32x64x400x64xf32, #tpu.memory_space<hbm>> -> memref<1x1x50x64xf32, #tpu.memory_space<hbm>>
    %dma_wait3A_402 = tpu.memref_squeeze %dma_wait3A_401 : memref<1x1x50x64xf32, #tpu.memory_space<hbm>> -> memref<50x64xf32, #tpu.memory_space<hbm>>
    %dma_wait3A_403 = arith.constant 0 : i32
    %dma_wait3A_404 = arith.constant 0 : i32
    %dma_wait3A_405 = tpu.memref_slice %arg7[%dma_wait3A_403, %dma_wait3A_404] : memref<448x64xf32, #tpu.memory_space<vmem>> -> memref<50x64xf32, #tpu.memory_space<vmem>>
    tpu.wait_dma2 semaphore(%arg11 : memref<!tpu.dma_semaphore, #tpu.memory_space<semaphore_mem>>) src(%dma_wait3A_405 : memref<50x64xf32, #tpu.memory_space<vmem>>) dst(%dma_wait3A_402 : memref<50x64xf32, #tpu.memory_space<hbm>>)
    return
  }
}

</mosaic_0001>

<sc_bundles>
// kernel: kernel.3.cloned.1.call-start
scs
__scs_entry_jumppad:
0x0: {  	(pc) =	sbr.rel $0x88, $3  }
0x1: {  	(tag) =	ssettag $0x0;
	lr =	simm.s32 $0x1  }
0x2: {  	[smem:$0x3F9F] =	sst lr;
	_ =	strace $0xD0000000  }
0x3: {  	_ = 	snop  }
0x4: {  	_ = 	snop  }
0x5: {  	_ = 	snop  }
0x6: {  	_ = 	snop  }
0x7: {  	_ = 	snop  }
__scs_overlays_trampoline_lowered:
0x8: {  	[smem:$0x3FAE] =	sst s0  }
0x9: {  	[smem:$0x3FAF] =	sst s1  }
0xa: {  	[smem:$0x3FB0] =	sst s2  }
0xb: {  	[smem:$0x3FB1] =	sst s3  }
0xc: {  	[smem:$0x3FB2] =	sst s4  }
0xd: {  	[smem:$0x3FB3] =	sst s5  }
0xe: {  	[smem:$0x3FB4] =	sst s6  }
0xf: {  	[smem:$0x3FB5] =	sst s7  }
0x10: {  	[smem:$0x3FB6] =	sst s8  }
0x11: {  	[smem:$0x3FB7] =	sst s9;
	s0 =	simm.s32 @!p0 $0x0  }
0x12: {  	s1 =	sld [smem:$0x3F9D];
	s0 =	simm.s32 @p0 $0x1  }
0x13: {  	[smem:$0x3FB8] =	sst s0;
	s0 =	simm.s32 @!p1 $0x0  }
0x14: {  	s2 =	sld [smem:$0x3F9C];
	s0 =	simm.s32 @p1 $0x1  }
0x15: {  	[smem:$0x3FB9] =	sst s0;
	s0 =	simm.s32 @!p2 $0x0  }
0x16: {  	s3 =	sld [smem:$0x3FDB];
	s0 =	simm.s32 @p2 $0x1  }
0x17: {  	s4 =	simm.s32 $0x1BF5;
	[smem:$0x3FBB] =	sst s0  }
0x18: {  	s0 =	sld [smem:$0x3F9E];
	_ =	swait.ge [sflag:s4], $0x0  }
0x19: {  	s7 =	sld [smem:$0x3F9F]  }
0x1a: {  	s8 =	sadd.s32 $0xFFFFE003, lr  }
0x1b: {  	s9 =	sadd.s32 $0xFFFFFEF7, lr;
	s5 =	simm.s32 $0xFFFFFFFF;
	p2 =	slt.u32 s8, $0xFFFFF086  }
0x1c: {  	p1 =	slt.u32 s9, $0xF7A;
	s5 =	simm.s32 @!p2 $0x0  }
0x1d: {  	s5 =	simm.s32 @p1 $0x1;
	p0 =	seq.s32 s7, s2  }
0x1e: {  	s7 =	smul.u32 @!p0 $0xF7A, s2;
	p2 =	seq.s32 @!p0 s5, $0x0  }
0x1f: {  	s9 =	smul.u32 $0xF7A, s1;
	s8 =	simm.s32 @!p0 $0x1BF5;
	p2 =	por !p2, p0  }
0x20: {  	[sflag:s8] =	ssyncset.s32 @!p0 $0xFFFFF086;
	s6 =	sadd.s32 @!p0 s3, s7;
	s7 =	simm.s32 @!p0 $0x108  }
0x21: {  	s3 =	sadd.s32 s3, s9;
	s6 =	sadd.s32 @!p0 $0x88, s6;
	s7 =	simm.s32 @p2 $0x1082  }
0x22: {  	[simem:s7], [sflag:s8] =	dma.local @!p0 [hbm:s6], $0xF7A  }
0x23: {  	s9 =	sor.u32 $0xD0000000, s2;
	s6 =	simm.s32 $0x108;
	_ =	swait.ge @!p0 [sflag:s8], $0x0  }
0x24: {  	s3 =	sadd.s32 $0x88, s3;
	s6 =	simm.s32 @!p1 $0x1082;
	[sflag:s4] =	ssyncset.s32 $0xFFFFF086  }
0x25: {  	[simem:s6], [sflag:s4] =	dma.local [hbm:s3], $0xF7A  }
0x26: {  	[smem:$0x3F9F] =	sst s1;
	(tag) =	ssettag s2;
	_ =	strace s9  }
0x27: {  	s1 =	sld [smem:$0x3FAF]  }
0x28: {  	s2 =	sld [smem:$0x3FB0]  }
0x29: {  	s4 =	sld [smem:$0x3FB2]  }
0x2a: {  	p0 =	seq.s32 s5, $0x0;
	s5 =	sld [smem:$0x3FB3]  }
0x2b: {  	s6 =	sld [smem:$0x3FB4]  }
0x2c: {  	s7 =	sld [smem:$0x3FB5]  }
0x2d: {  	s3 =	simm.s32 $0x108;
	s8 =	sld [smem:$0x3FB6]  }
0x2e: {  	s3 =	simm.s32 @!p0 $0x1082;
	s9 =	sld [smem:$0x3FB7]  }
0x2f: {  	lr =	sadd.s32 s0, s3;
	s0 =	sld [smem:$0x3FAE]  }
0x30: {  	s3 =	sld [smem:$0x3FB1]  }
0x31: {  	[smem:$0x3FBA] =	sst s10  }
0x32: {  	s10 =	sld [smem:$0x3FB8];
	_ =	sdelay $0x3  }
0x33: {  	p0 =	seq.s32 s10, $0x1;
	s10 =	sld [smem:$0x3FBA];
	_ =	sdelay $0x3  }
0x34: {  	[smem:$0x3FBA] =	sst s10  }
0x35: {  	s10 =	sld [smem:$0x3FB9];
	_ =	sdelay $0x3  }
0x36: {  	p1 =	seq.s32 s10, $0x1;
	s10 =	sld [smem:$0x3FBA];
	_ =	sdelay $0x3  }
0x37: {  	[smem:$0x3FBA] =	sst s10  }
0x38: {  	s10 =	sld [smem:$0x3FBB]  }
0x39: {  	_ = 	snop;
	(pc) =	sbr.ind lr, $3  }
0x3a: {  	_ = 	snop  }
0x3b: {  	_ = 	snop  }
0x3c: {  	p2 =	seq.s32 s10, $0x1;
	s10 =	sld [smem:$0x3FBA]  }
0x3d: {  	_ =	shalt  }
0x3e: {  	_ =	shalt  }
0x3f: {  	_ =	shalt  }
0x40: {  	_ =	shalt  }
0x41: {  	_ =	shalt  }
0x42: {  	_ =	shalt  }
0x43: {  	_ =	shalt  }
0x44: {  	_ =	shalt  }
0x45: {  	_ =	shalt  }
0x46: {  	_ =	shalt  }
0x47: {  	_ =	shalt  }
0x48: {  	_ =	shalt  }
0x49: {  	_ =	shalt  }
0x4a: {  	_ =	shalt  }
0x4b: {  	_ =	shalt  }
0x4c: {  	_ =	shalt  }
0x4d: {  	_ =	shalt  }
0x4e: {  	_ =	shalt  }
0x4f: {  	_ =	shalt  }
0x50: {  	_ =	shalt  }
0x51: {  	_ =	shalt  }
0x52: {  	_ =	shalt  }
0x53: {  	_ =	shalt  }
0x54: {  	_ =	shalt  }
0x55: {  	_ =	shalt  }
0x56: {  	_ =	shalt  }
0x57: {  	_ =	shalt  }
0x58: {  	_ =	shalt  }
0x59: {  	_ =	shalt  }
0x5a: {  	_ =	shalt  }
0x5b: {  	_ =	shalt  }
0x5c: {  	_ =	shalt  }
0x5d: {  	_ =	shalt  }
0x5e: {  	_ =	shalt  }
0x5f: {  	_ =	shalt  }
0x60: {  	_ =	shalt  }
0x61: {  	_ =	shalt  }
0x62: {  	_ =	shalt  }
0x63: {  	_ =	shalt  }
0x64: {  	_ =	shalt  }
0x65: {  	_ =	shalt  }
0x66: {  	_ =	shalt  }
0x67: {  	_ =	shalt  }
0x68: {  	_ =	shalt  }
0x69: {  	_ =	shalt  }
0x6a: {  	_ =	shalt  }
0x6b: {  	_ =	shalt  }
0x6c: {  	_ =	shalt  }
0x6d: {  	_ =	shalt  }
0x6e: {  	_ =	shalt  }
0x6f: {  	_ =	shalt  }
0x70: {  	_ =	shalt  }
0x71: {  	_ =	shalt  }
0x72: {  	_ =	shalt  }
0x73: {  	_ =	shalt  }
0x74: {  	_ =	shalt  }
0x75: {  	_ =	shalt  }
0x76: {  	_ =	shalt  }
0x77: {  	_ =	shalt  }
0x78: {  	_ =	shalt  }
0x79: {  	_ =	shalt  }
0x7a: {  	_ =	shalt  }
0x7b: {  	_ =	shalt  }
0x7c: {  	_ =	shalt  }
0x7d: {  	_ =	shalt  }
0x7e: {  	_ =	shalt  }
0x7f: {  	_ =	shalt  }
0x80: {  	_ =	shalt  }
0x81: {  	_ =	shalt  }
0x82: {  	_ =	shalt  }
0x83: {  	_ =	shalt  }
0x84: {  	_ =	shalt  }
0x85: {  	_ =	shalt  }
0x86: {  	_ =	shalt  }
0x87: {  	_ =	shalt  }
.Lfunc_end0:
.L_simem_size_0:
called_computation.1_lowered:
.L_overlay_start_0:
0x88: {  	s2 =	sld [smem:$0x3FD9]  }
0x89: {  	s3 =	sld [smem:$0x3FFE];
	_ =	sdelay $0x1  }
0x8a: {  	s1 =	srdreg.scid  }
0x8b: {  	s0 =	sand.u32 $0x1, s1  }
0x8c: {  	s17 =	sshll.u32 s0, $0xA;
	s2 =	sadd.s32 s3, s2  }
0x8d: {  	s2 =	sadd.s32 s2, s17  }
0x8e: {  	[smem:$0x3FC6] =	sst s2  }
0x8f: {  	_ = 	snop  }
0x90: {  	s2 =	sld [smem:$0x3FD0];
	(tm) =	ssettm $0x1  }
0x91: {  	s18 =	sld [smem:$0x3FFB];
	_ =	sdelay $0x3  }
0x92: {  	_ =	strace s18  }
0x93: {  	s3 =	sld [smem:$0x3FFC];
	_ =	sdelay $0x3  }
0x94: {  	_ =	strace s3  }
0x95: {  	s3 =	sld [smem:$0x3FFD];
	_ =	sdelay $0x3  }
0x96: {  	_ =	strace s3  }
0x97: {  	_ =	strace $0x8FFFFFFF  }
0x98: {  	s19 =	sld [smem:$0x3FDB];
	_ =	sdelay $0x1  }
0x99: {  	s4 =	simm.s32 $_scs_section_size  }
0x9a: {  	s5 =	simm.s32 $_size__tile_overlayer_lowered;
	s6 =	simm.s32 $_tile_overlayer_lowered  }
0x9b: {  	s22 =	simm.s32 $0x1BFF;
	s21 =	sshll.u32 s6, $0x1;
	s3 =	sadd.s32 s4, s19  }
0x9c: {  	s7 =	simm.s32 $0x0;
	s20 =	sshll.u32 s5, $0x1;
	s5 =	sadd.s32 s21, s3  }
0x9d: {  	[timem:s7], [sflag:s22] =	dma.local [hbm:s5], s20  }
0x9e: {  	_ =	swait.ge [sflag:s22], s20  }
0x9f: {  	s4 =	ssub.s32 $0x0, s20;
	[sflag:s22] =	ssyncset.done $0x0  }
0xa0: {  	[sflag:s22] =	ssyncadd.s32 s4;
	_ =	sdelay $0x1  }
0xa1: {  	s23 =	simm.s32 $0x1B8B  }
0xa2: {  	_ =	swait.ge [sflag:s23], $0x1  }
0xa3: {  	[sflag:s23] =	ssyncset.done $0x0  }
0xa4: {  	s25 =	simm.s32 $0x1B8E;
	s24 =	sld [smem:$0x3FFE];
	[sflag:s23] =	ssyncadd.s32 $0xFFFFFFFF  }
0xa5: {  	s26 =	simm.s32 $execute0_lowered;
	[smem:$0x3FD2] =	sst s25  }
0xa6: {  	s5 =	sshll.u32 s26, $0x1;
	_ =	strace $0x80000046;
	[dreg:$0x1] =	wrdreg $0xFFFFFFFF  }
0xa7: {  	s28 =	simm.s32 $_size_execute0_lowered;
	s3 =	sadd.s32 s3, s5;
	[dreg:$0x0] =	wrdreg $0x0  }
0xa8: {  	s5 =	sshll.u32 s28, $0x1;
	[dreg:$0x2] =	wrdreg s3  }
0xa9: {  	[dreg:$0x3] =	wrdreg s5  }
0xaa: {  	[dreg:$0x4] =	wrdreg $0xC0  }
0xab: {  	_ =	task [dreg:s7], $0x5FFFF  }
0xac: {  	[dreg:$0x1] =	wrdreg $0xFFFFFFFF  }
0xad: {  	[dreg:$0x0] =	wrdreg $0x60  }
0xae: {  	[dreg:$0x2] =	wrdreg s24  }
0xaf: {  	[dreg:$0x3] =	wrdreg s2  }
0xb0: {  	[dreg:$0x4] =	wrdreg $0x9  }
0xb1: {  	_ =	task.clear_ibuf [dreg:s7], $0x5FFFF;
	_ =	strace $0x90000046  }
0xb2: {  	s29 =	simm.s32 $0x9;
	_ =	strace $0x80000048  }
0xb3: {  	_ =	swait.ge [sflag:s29], $0x1  }
0xb4: {  	[sflag:s29] =	ssyncadd.s32 $0xFFFFFFFF  }
0xb5: {  	_ =	strace $0x90000048  }
0xb6: {  	_ =	sfence  }
0xb7: {  	s30 =	sld [smem:$0x0];
	_ =	sdelay $0x2  }
0xb8: {  	s31 =	sshll.u32 s1, $0xD;
	s1 =	sshrl.u32 s1, $0x2  }
0xb9: {  	s3 =	sand.u32 $0x4000, s31;
	s1 =	sadd.s32 s1, s30  }
0xba: {  	s0 =	sor.u32 s3, s0;
	s1 =	sshll.u32 s1, $0x11  }
0xbb: {  	s0 =	sor.u32 s1, s0  }
0xbc: {  	s0 =	sadd.s32 $0x8F2B, s0  }
0xbd: {  	[sflag:s0] =	ssyncadd.remote.s32 $0x1  }
0xbe: {  	_ =	sfence.sel $0xFFFF  }
0xbf: {  	[dreg:$0x0] =	wrdreg $0xFFFFFFFF;
	(pc) =	sbr.abs _section_cstart, $3  }
0xc0: {  	[dreg:$0x1] =	wrdreg $0xFFFFFFFF  }
0xc1: {  	_ =	task.clear_ibuf [dreg:s7], $0x2FFFF;
	_ =	strace $0x9FFFFFFF  }
0xc2: {  	(tm) =	ssettm $0x7FFFFFFF  }
0xc3: {  	_ =	shalt  }
tec
execute0_lowered:
.L_overlay_start_1:
0x0: {  	(tag) =	ssettag $0x1  }
0x1: {  	s1 =	rddreg [dreg:$0x0]  }
0x2: {  	s0 =	rddreg [dreg:$0x1];
	s2 =	simm.s32 $0x0;
	s3 =	srdreg.scid  }
0x3: {  	s6 =	stileid.u32;
	s29 =	simm.s32 $0x1C400;
	s31 =	simm.s32 $0x1D200  }
0x4: {  	s28 =	simm.s32 $0x2;
	[smem:$0x7FF] =	sst s2;
	s3 =	sand.u32 $0x1, s3  }
0x5: {  	s4 =	sshll.u32 s6, $0xE;
	s6 =	smul.u32 $0x320000, s6;
	s5 =	sshll.u32 s3, $0xD  }
0x6: {  	s22 =	ssub.s32 $0x2, s3;
	s7 =	smul.u32 $0x190000, s3;
	_ =	strace $0x80000047  }
0x7: {  	s3 =	sadd.s32 $0xF42E00, s1;
	s4 =	sor.u32 s5, s4;
	s8 =	sshrl.u32 s22, $0x1  }
0x8: {  	s4 =	sadd.s32 s4, s1;
	s23 =	ssub.s32 s22, s8;
	s5 =	sadd.s32 s7, s6  }
0x9: {  	s4 =	sadd.s32 $0xA00, s4;
	s1 =	smax.u32 s23, $0x1;
	s24 =	sor.u32 $0x6400, s5  }
0xa: {  	s25 =	sor.u32 $0x7080, s5;
	s6 =	sor.u32 $0x7D00, s5;
	s7 =	sor.u32 $0x8980, s5  }
0xb: {  	s8 =	sor.u32 $0x9600, s5;
	s9 =	sor.u32 $0xA280, s5;
	s12 =	sor.u32 $0xAF00, s5  }
0xc: {  	s13 =	sor.u32 $0xBB80, s5;
	s14 =	sor.u32 $0x5780, s5;
	s17 =	sor.u32 $0x4B00, s5  }
0xd: {  	s18 =	sor.u32 $0x3E80, s5;
	s19 =	sor.u32 $0x3200, s5;
	[dreg:$0x3] =	wrdreg s4  }
0xe: {  	s22 =	sor.u32 $0x2580, s5;
	s23 =	sor.u32 $0x1900, s5;
	[dreg:$0x4] =	wrdreg s1  }
0xf: {  	s1 =	sshrl.u32 s24, $0x3;
	s26 =	sshrl.u32 s25, $0x3;
	s30 =	sshrl.u32 s6, $0x3  }
0x10: {  	s10 =	sshrl.u32 s8, $0x3;
	s11 =	sshrl.u32 s9, $0x3;
	s15 =	sshrl.u32 s13, $0x3  }
0x11: {  	s16 =	sshrl.u32 s14, $0x3;
	s20 =	sshrl.u32 s18, $0x3;
	s21 =	sshrl.u32 s19, $0x3  }
0x12: {  	s24 =	sor.u32 $0xC80, s5;
	s25 =	sshrl.u32 s23, $0x3;
	s23 =	simm.s32 $0x38  }
0x13: {  	s4 =	simm.s32 $0x17E00;
	s1 =	sadd.s32 s1, s0;
	s6 =	sadd.s32 s30, s0  }
0x14: {  	s10 =	sadd.s32 s10, s0;
	s11 =	sadd.s32 s11, s0;
	s13 =	sadd.s32 s15, s0  }
0x15: {  	s14 =	sadd.s32 s16, s0;
	s16 =	sadd.s32 s20, s0;
	s19 =	sadd.s32 s25, s0  }
0x16: {  	s30 =	sshrl.u32 s5, $0x3;
	s25 =	simm.s32 $0x17000;
	[dreg:$0x5] =	wrdreg s1  }
0x17: {  	s5 =	simm.s32 $0x18C00;
	s1 =	sadd.s32 s26, s0;
	[dreg:$0x7] =	wrdreg s6  }
0x18: {  	s26 =	sshrl.u32 s24, $0x3;
	[dreg:$0x6] =	wrdreg s1;
	s1 =	sshrl.u32 s7, $0x3  }
0x19: {  	s24 =	simm.s32 $0x1A800;
	s20 =	sadd.s32 s26, s0;
	s1 =	sadd.s32 s1, s0  }
.Ltmp0:
0x1a: {  	[dreg:$0x8] =	wrdreg s1;
	s1 =	sshrl.u32 s12, $0x3;
	(pc) =	sbr.rel .LBB2_1-.Ltmp0, $4  }
0x1b: {  	s26 =	simm.s32 $0x1B600;
	s7 =	simm.s32 $0x0;
	s12 =	sadd.s32 s1, s0  }
0x1c: {  	s1 =	sshrl.u32 s17, $0x3;
	s17 =	sadd.s32 s21, s0;
	s21 =	sadd.s32 s30, s0  }
0x1d: {  	s15 =	sadd.s32 s1, s0;
	s1 =	sshrl.u32 s22, $0x3;
	s22 =	simm.s32 $0x19A00  }
0x1e: {  	s18 =	sadd.s32 s1, s0;
	s1 =	simm.s32 $0x1;
	s0 =	simm.s32 $0x4  }
.LBB2_4:
0x1f: {  	s6 =	simm.s32 $0x3  }
0x20: {  	_ =	swait.ge [sflag:s6], $0xC80  }
0x21: {  	[sflag:s6] =	ssyncset.done $0x0  }
0x22: {  	[sflag:s6] =	ssyncadd.s32 $0xFFFFF380  }
0x23: {  	_ =	swait.ge [sflag:s6], $0xC80  }
0x24: {  	[sflag:s6] =	ssyncset.done $0x0  }
0x25: {  	[sflag:s6] =	ssyncadd.s32 $0xFFFFF380  }
0x26: {  	_ =	swait.ge [sflag:s6], $0xC80  }
0x27: {  	[sflag:s6] =	ssyncset.done $0x0  }
0x28: {  	[sflag:s6] =	ssyncadd.s32 $0xFFFFF380  }
0x29: {  	_ =	swait.ge [sflag:s6], $0xC80  }
0x2a: {  	[sflag:s6] =	ssyncset.done $0x0  }
0x2b: {  	[sflag:s6] =	ssyncadd.s32 $0xFFFFF380  }
0x2c: {  	_ =	swait.ge [sflag:s6], $0xC80  }
0x2d: {  	[sflag:s6] =	ssyncset.done $0x0  }
0x2e: {  	[sflag:s6] =	ssyncadd.s32 $0xFFFFF380  }
0x2f: {  	_ =	swait.ge [sflag:s6], $0xC80  }
0x30: {  	[sflag:s6] =	ssyncset.done $0x0  }
0x31: {  	[sflag:s6] =	ssyncadd.s32 $0xFFFFF380  }
0x32: {  	_ =	swait.ge [sflag:s6], $0xC80  }
0x33: {  	[sflag:s6] =	ssyncset.done $0x0  }
0x34: {  	[sflag:s6] =	ssyncadd.s32 $0xFFFFF380  }
0x35: {  	_ =	swait.ge [sflag:s6], $0xC80  }
0x36: {  	[sflag:s6] =	ssyncset.done $0x0  }
0x37: {  	[sflag:s6] =	ssyncadd.s32 $0xFFFFF380  }
0x38: {  	_ =	swait.ge [sflag:s0], $0xC80  }
0x39: {  	[sflag:s0] =	ssyncset.done $0x0  }
0x3a: {  	[sflag:s0] =	ssyncadd.s32 $0xFFFFF380  }
0x3b: {  	_ =	swait.ge [sflag:s0], $0xC80  }
0x3c: {  	[sflag:s0] =	ssyncset.done $0x0  }
0x3d: {  	[sflag:s0] =	ssyncadd.s32 $0xFFFFF380  }
0x3e: {  	_ =	swait.ge [sflag:s0], $0xC80  }
0x3f: {  	[sflag:s0] =	ssyncset.done $0x0  }
0x40: {  	[sflag:s0] =	ssyncadd.s32 $0xFFFFF380  }
0x41: {  	_ =	swait.ge [sflag:s0], $0xC80  }
0x42: {  	[sflag:s0] =	ssyncset.done $0x0  }
0x43: {  	[sflag:s0] =	ssyncadd.s32 $0xFFFFF380  }
0x44: {  	_ =	swait.ge [sflag:s0], $0xC80  }
0x45: {  	[sflag:s0] =	ssyncset.done $0x0  }
0x46: {  	[sflag:s0] =	ssyncadd.s32 $0xFFFFF380  }
0x47: {  	_ =	swait.ge [sflag:s0], $0xC80  }
0x48: {  	[sflag:s0] =	ssyncset.done $0x0  }
0x49: {  	[sflag:s0] =	ssyncadd.s32 $0xFFFFF380  }
0x4a: {  	_ =	swait.ge [sflag:s0], $0xC80  }
0x4b: {  	[sflag:s0] =	ssyncset.done $0x0  }
0x4c: {  	[sflag:s0] =	ssyncadd.s32 $0xFFFFF380  }
0x4d: {  	_ =	swait.ge [sflag:s0], $0xC80  }
0x4e: {  	s7 =	rddreg [dreg:$0x9]  }
0x4f: {  	s30 =	rddreg [dreg:$0x4];
	s7 =	sadd.s32 $0x1, s7  }
0x50: {  	p0 =	sne.s32 s7, s30  }
.Ltmp1:
0x51: {  	_ = 	snop;
	(pc) =	sbr.rel @!p0 .LBB2_5-.Ltmp1, $3  }
0x52: {  	_ =	sdelay $0x1  }
0x53: {  	[sflag:s0] =	ssyncset.done $0x0  }
0x54: {  	[sflag:s0] =	ssyncadd.s32 $0xFFFFF380  }
.LBB2_1:
0x55: {  	[dreg:$0x9] =	wrdreg s7  }
0x56: {  	s6 =	rddreg [dreg:$0x3];
	s9 =	simm.s32 $0x5  }
0x57: {  	[tilespmem:s2], [sflag:$0x5] =	stream.linear.gather [hbm4b:s6+s2], $0x10000, $0x38;
	[tilespmem:$0x1E000] =	vst v63  }
0x58: {  	_ =	swait.ge [sflag:s9], $0x10000  }
0x59: {  	[sflag:s9] =	ssyncset.done $0x0  }
0x5a: {  	s7 =	simm.s32 $0x10000;
	[sflag:s9] =	ssyncadd.s32 $0xFFFF0000  }
0x5b: {  	[tilespmem:s7], [sflag:$0x1] =	stream.indirect.gather [hbm4b:s3+s23], $0x40, s2, s23, $0xb8;
	[tilespmem:$0x1E000] =	vst v63  }
0x5c: {  	s8 =	simm.s32 $0x80;
	s9 =	simm.s32 $0x10E00  }
0x5d: {  	[tilespmem:s9], [sflag:$0x1] =	stream.indirect.gather [hbm4b:s3+s23], $0x40, s8, s23, $0xb8;
	[tilespmem:$0x1E000] =	vst v63  }
0x5e: {  	s8 =	simm.s32 $0x100;
	s9 =	simm.s32 $0x11C00  }
0x5f: {  	[tilespmem:s9], [sflag:$0x1] =	stream.indirect.gather [hbm4b:s3+s23], $0x40, s8, s23, $0xb8;
	[tilespmem:$0x1E000] =	vst v63  }
0x60: {  	s8 =	simm.s32 $0x180;
	s9 =	simm.s32 $0x12A00  }
0x61: {  	[tilespmem:s9], [sflag:$0x1] =	stream.indirect.gather [hbm4b:s3+s23], $0x40, s8, s23, $0xb8;
	[tilespmem:$0x1E000] =	vst v63  }
0x62: {  	s8 =	simm.s32 $0x200;
	s9 =	simm.s32 $0x13800  }
0x63: {  	[tilespmem:s9], [sflag:$0x1] =	stream.indirect.gather [hbm4b:s3+s23], $0x40, s8, s23, $0xb8;
	[tilespmem:$0x1E000] =	vst v63  }
0x64: {  	s8 =	simm.s32 $0x280;
	s9 =	simm.s32 $0x14600  }
0x65: {  	[tilespmem:s9], [sflag:$0x1] =	stream.indirect.gather [hbm4b:s3+s23], $0x40, s8, s23, $0xb8;
	[tilespmem:$0x1E000] =	vst v63  }
0x66: {  	s8 =	simm.s32 $0x300;
	s9 =	simm.s32 $0x15400  }
0x67: {  	[tilespmem:s9], [sflag:$0x1] =	stream.indirect.gather [hbm4b:s3+s23], $0x40, s8, s23, $0xb8;
	[tilespmem:$0x1E000] =	vst v63  }
0x68: {  	s8 =	simm.s32 $0x380;
	s9 =	simm.s32 $0x16200  }
0x69: {  	[tilespmem:s9], [sflag:$0x1] =	stream.indirect.gather [hbm4b:s3+s23], $0x40, s8, s23, $0xb8;
	[tilespmem:$0x1E000] =	vst v63  }
0x6a: {  	s8 =	simm.s32 $0x400  }
0x6b: {  	[tilespmem:s25], [sflag:$0x2] =	stream.indirect.gather [hbm4b:s3+s23], $0x40, s8, s23, $0xb8;
	[tilespmem:$0x1E000] =	vst v63  }
0x6c: {  	s9 =	simm.s32 $0x480  }
0x6d: {  	[tilespmem:s4], [sflag:$0x2] =	stream.indirect.gather [hbm4b:s3+s23], $0x40, s9, s23, $0xb8;
	[tilespmem:$0x1E000] =	vst v63  }
0x6e: {  	s7 =	simm.s32 $0x500  }
0x6f: {  	[tilespmem:s5], [sflag:$0x2] =	stream.indirect.gather [hbm4b:s3+s23], $0x40, s7, s23, $0xb8;
	[tilespmem:$0x1E000] =	vst v63  }
0x70: {  	s8 =	simm.s32 $0x580  }
0x71: {  	[tilespmem:s22], [sflag:$0x2] =	stream.indirect.gather [hbm4b:s3+s23], $0x40, s8, s23, $0xb8;
	[tilespmem:$0x1E000] =	vst v63  }
0x72: {  	s9 =	simm.s32 $0x600  }
0x73: {  	[tilespmem:s24], [sflag:$0x2] =	stream.indirect.gather [hbm4b:s3+s23], $0x40, s9, s23, $0xb8;
	[tilespmem:$0x1E000] =	vst v63  }
0x74: {  	s7 =	simm.s32 $0x680  }
0x75: {  	[tilespmem:s26], [sflag:$0x2] =	stream.indirect.gather [hbm4b:s3+s23], $0x40, s7, s23, $0xb8;
	[tilespmem:$0x1E000] =	vst v63  }
0x76: {  	s8 =	simm.s32 $0x700  }
0x77: {  	[tilespmem:s29], [sflag:$0x2] =	stream.indirect.gather [hbm4b:s3+s23], $0x40, s8, s23, $0xb8;
	[tilespmem:$0x1E000] =	vst v63  }
0x78: {  	s30 =	simm.s32 $0x800;
	s6 =	simm.s32 $0x0;
	s9 =	simm.s32 $0x780  }
0x79: {  	[tilespmem:s31], [sflag:$0x2] =	stream.indirect.gather [hbm4b:s3+s23], $0x40, s9, s23, $0xb8;
	[tilespmem:$0x1E000] =	vst v63  }
.LBB2_2:
0x7a: {  	_ =	swait.ge [sflag:s1], $0xE00  }
0x7b: {  	[sflag:s1] =	ssyncset.done $0x0  }
0x7c: {  	[sflag:s1] =	ssyncadd.s32 $0xFFFFF200  }
0x7d: {  	_ =	swait.ge [sflag:s1], $0xE00  }
0x7e: {  	[sflag:s1] =	ssyncset.done $0x0  }
0x7f: {  	[sflag:s1] =	ssyncadd.s32 $0xFFFFF200  }
0x80: {  	_ =	swait.ge [sflag:s1], $0xE00  }
0x81: {  	[sflag:s1] =	ssyncset.done $0x0  }
0x82: {  	[sflag:s1] =	ssyncadd.s32 $0xFFFFF200  }
0x83: {  	_ =	swait.ge [sflag:s1], $0xE00  }
0x84: {  	[sflag:s1] =	ssyncset.done $0x0  }
0x85: {  	[sflag:s1] =	ssyncadd.s32 $0xFFFFF200  }
0x86: {  	_ =	swait.ge [sflag:s1], $0xE00  }
0x87: {  	[sflag:s1] =	ssyncset.done $0x0  }
0x88: {  	[sflag:s1] =	ssyncadd.s32 $0xFFFFF200  }
0x89: {  	_ =	swait.ge [sflag:s1], $0xE00  }
0x8a: {  	[sflag:s1] =	ssyncset.done $0x0  }
0x8b: {  	[sflag:s1] =	ssyncadd.s32 $0xFFFFF200  }
0x8c: {  	_ =	swait.ge [sflag:s1], $0xE00  }
0x8d: {  	[sflag:s1] =	ssyncset.done $0x0  }
0x8e: {  	[sflag:s1] =	ssyncadd.s32 $0xFFFFF200  }
0x8f: {  	_ =	swait.ge [sflag:s1], $0xE00  }
0x90: {  	[sflag:s1] =	ssyncset.done $0x0  }
0x91: {  	s7 =	sadd.s32 s6, s21;
	s8 =	simm.s32 $0x10000;
	[sflag:s1] =	ssyncadd.s32 $0xFFFFF200  }
0x92: {  	[hbm4b:s7+s2] =	stream.linear.scatter [tilespmem:s8], [sflag:$0x3], $0xC80, $0x38;
	[tilespmem:$0x1E000] =	vst v63  }
0x93: {  	s9 =	simm.s32 $0x10E00;
	s8 =	sadd.s32 s6, s20  }
0x94: {  	[hbm4b:s8+s2] =	stream.linear.scatter [tilespmem:s9], [sflag:$0x3], $0xC80, $0x38;
	[tilespmem:$0x1E000] =	vst v63  }
0x95: {  	s8 =	sadd.s32 s6, s19;
	s9 =	simm.s32 $0x11C00  }
0x96: {  	[hbm4b:s8+s2] =	stream.linear.scatter [tilespmem:s9], [sflag:$0x3], $0xC80, $0x38;
	[tilespmem:$0x1E000] =	vst v63  }
0x97: {  	s8 =	sadd.s32 s6, s18;
	s9 =	simm.s32 $0x12A00  }
0x98: {  	[hbm4b:s8+s2] =	stream.linear.scatter [tilespmem:s9], [sflag:$0x3], $0xC80, $0x38;
	[tilespmem:$0x1E000] =	vst v63  }
0x99: {  	s8 =	sadd.s32 s6, s17;
	s9 =	simm.s32 $0x13800  }
0x9a: {  	[hbm4b:s8+s2] =	stream.linear.scatter [tilespmem:s9], [sflag:$0x3], $0xC80, $0x38;
	[tilespmem:$0x1E000] =	vst v63  }
0x9b: {  	s8 =	sadd.s32 s6, s16;
	s9 =	simm.s32 $0x14600  }
0x9c: {  	[hbm4b:s8+s2] =	stream.linear.scatter [tilespmem:s9], [sflag:$0x3], $0xC80, $0x38;
	[tilespmem:$0x1E000] =	vst v63  }
0x9d: {  	p0 =	seq.s32 s6, $0x30700;
	s8 =	sadd.s32 s6, s15;
	s9 =	simm.s32 $0x15400  }
0x9e: {  	[hbm4b:s8+s2] =	stream.linear.scatter [tilespmem:s9], [sflag:$0x3], $0xC80, $0x38;
	[tilespmem:$0x1E000] =	vst v63  }
0x9f: {  	s7 =	simm.s32 @!p0 $0x3;
	s8 =	sadd.s32 s6, s14;
	s9 =	simm.s32 $0x16200  }
0xa0: {  	[hbm4b:s8+s2] =	stream.linear.scatter [tilespmem:s9], [sflag:$0x3], $0xC80, $0x38;
	[tilespmem:$0x1E000] =	vst v63  }
0xa1: {  	_ =	swait.ge @!p0 [sflag:s7], $0xC80  }
0xa2: {  	[sflag:s7] =	ssyncset.done @!p0 $0x0  }
0xa3: {  	[sflag:s7] =	ssyncadd.s32 @!p0 $0xFFFFF380  }
0xa4: {  	_ =	swait.ge @!p0 [sflag:s7], $0xC80  }
0xa5: {  	[sflag:s7] =	ssyncset.done @!p0 $0x0  }
0xa6: {  	[sflag:s7] =	ssyncadd.s32 @!p0 $0xFFFFF380  }
0xa7: {  	_ =	swait.ge @!p0 [sflag:s7], $0xC80  }
0xa8: {  	[sflag:s7] =	ssyncset.done @!p0 $0x0  }
0xa9: {  	[sflag:s7] =	ssyncadd.s32 @!p0 $0xFFFFF380  }
0xaa: {  	_ =	swait.ge @!p0 [sflag:s7], $0xC80  }
0xab: {  	[sflag:s7] =	ssyncset.done @!p0 $0x0  }
0xac: {  	[sflag:s7] =	ssyncadd.s32 @!p0 $0xFFFFF380  }
0xad: {  	_ =	swait.ge @!p0 [sflag:s7], $0xC80  }
0xae: {  	[sflag:s7] =	ssyncset.done @!p0 $0x0  }
0xaf: {  	[sflag:s7] =	ssyncadd.s32 @!p0 $0xFFFFF380  }
0xb0: {  	_ =	swait.ge @!p0 [sflag:s7], $0xC80  }
0xb1: {  	[sflag:s7] =	ssyncset.done @!p0 $0x0  }
0xb2: {  	[sflag:s7] =	ssyncadd.s32 @!p0 $0xFFFFF380  }
0xb3: {  	_ =	swait.ge @!p0 [sflag:s7], $0xC80  }
0xb4: {  	[sflag:s7] =	ssyncset.done @!p0 $0x0  }
0xb5: {  	[sflag:s7] =	ssyncadd.s32 @!p0 $0xFFFFF380  }
0xb6: {  	_ =	swait.ge @!p0 [sflag:s7], $0xC80  }
0xb7: {  	[sflag:s7] =	ssyncset.done @!p0 $0x0  }
0xb8: {  	s8 =	simm.s32 @!p0 $0x10000;
	[sflag:s7] =	ssyncadd.s32 @!p0 $0xFFFFF380;
	s7 =	simm.s32 @!p0 $0x38  }
0xb9: {  	[tilespmem:s8], [sflag:$0x1] =	stream.indirect.gather @!p0 [hbm4b:s3+s7], $0x40, s30, s7, $0xb8;
	[tilespmem:$0x1E000] =	vst v63  }
0xba: {  	s9 =	simm.s32 @!p0 $0x10E00;
	s8 =	sadd.s32 @!p0 $0x80, s30  }
0xbb: {  	[tilespmem:s9], [sflag:$0x1] =	stream.indirect.gather @!p0 [hbm4b:s3+s7], $0x40, s8, s7, $0xb8;
	[tilespmem:$0x1E000] =	vst v63  }
0xbc: {  	s8 =	sadd.s32 @!p0 $0x100, s30;
	s9 =	simm.s32 @!p0 $0x11C00  }
0xbd: {  	[tilespmem:s9], [sflag:$0x1] =	stream.indirect.gather @!p0 [hbm4b:s3+s7], $0x40, s8, s7, $0xb8;
	[tilespmem:$0x1E000] =	vst v63  }
0xbe: {  	s8 =	sadd.s32 @!p0 $0x180, s30;
	s9 =	simm.s32 @!p0 $0x12A00  }
0xbf: {  	[tilespmem:s9], [sflag:$0x1] =	stream.indirect.gather @!p0 [hbm4b:s3+s7], $0x40, s8, s7, $0xb8;
	[tilespmem:$0x1E000] =	vst v63  }
0xc0: {  	s8 =	sadd.s32 @!p0 $0x200, s30;
	s9 =	simm.s32 @!p0 $0x13800  }
0xc1: {  	[tilespmem:s9], [sflag:$0x1] =	stream.indirect.gather @!p0 [hbm4b:s3+s7], $0x40, s8, s7, $0xb8;
	[tilespmem:$0x1E000] =	vst v63  }
0xc2: {  	s8 =	sadd.s32 @!p0 $0x280, s30;
	s9 =	simm.s32 @!p0 $0x14600  }
0xc3: {  	[tilespmem:s9], [sflag:$0x1] =	stream.indirect.gather @!p0 [hbm4b:s3+s7], $0x40, s8, s7, $0xb8;
	[tilespmem:$0x1E000] =	vst v63  }
0xc4: {  	s8 =	sadd.s32 @!p0 $0x300, s30;
	s9 =	simm.s32 @!p0 $0x15400  }
0xc5: {  	[tilespmem:s9], [sflag:$0x1] =	stream.indirect.gather @!p0 [hbm4b:s3+s7], $0x40, s8, s7, $0xb8;
	[tilespmem:$0x1E000] =	vst v63  }
0xc6: {  	s8 =	sadd.s32 @!p0 $0x380, s30;
	s9 =	simm.s32 @!p0 $0x16200  }
0xc7: {  	[tilespmem:s9], [sflag:$0x1] =	stream.indirect.gather @!p0 [hbm4b:s3+s7], $0x40, s8, s7, $0xb8;
	[tilespmem:$0x1E000] =	vst v63  }
0xc8: {  	_ =	swait.ge [sflag:s28], $0xE00  }
0xc9: {  	[sflag:s28] =	ssyncset.done $0x0  }
0xca: {  	[sflag:s28] =	ssyncadd.s32 $0xFFFFF200  }
0xcb: {  	_ =	swait.ge [sflag:s28], $0xE00  }
0xcc: {  	[sflag:s28] =	ssyncset.done $0x0  }
0xcd: {  	[sflag:s28] =	ssyncadd.s32 $0xFFFFF200  }
0xce: {  	_ =	swait.ge [sflag:s28], $0xE00  }
0xcf: {  	[sflag:s28] =	ssyncset.done $0x0  }
0xd0: {  	[sflag:s28] =	ssyncadd.s32 $0xFFFFF200  }
0xd1: {  	_ =	swait.ge [sflag:s28], $0xE00  }
0xd2: {  	[sflag:s28] =	ssyncset.done $0x0  }
0xd3: {  	[sflag:s28] =	ssyncadd.s32 $0xFFFFF200  }
0xd4: {  	_ =	swait.ge [sflag:s28], $0xE00  }
0xd5: {  	[sflag:s28] =	ssyncset.done $0x0  }
0xd6: {  	[sflag:s28] =	ssyncadd.s32 $0xFFFFF200  }
0xd7: {  	_ =	swait.ge [sflag:s28], $0xE00  }
0xd8: {  	[sflag:s28] =	ssyncset.done $0x0  }
0xd9: {  	[sflag:s28] =	ssyncadd.s32 $0xFFFFF200  }
0xda: {  	_ =	swait.ge [sflag:s28], $0xE00  }
0xdb: {  	[sflag:s28] =	ssyncset.done $0x0  }
0xdc: {  	[sflag:s28] =	ssyncadd.s32 $0xFFFFF200  }
0xdd: {  	_ =	swait.ge [sflag:s28], $0xE00  }
0xde: {  	[sflag:s28] =	ssyncset.done $0x0;
	s8 =	rddreg [dreg:$0x5]  }
0xdf: {  	s9 =	rddreg [dreg:$0x6];
	[sflag:s28] =	ssyncadd.s32 $0xFFFFF200;
	s7 =	sadd.s32 s6, s8  }
0xe0: {  	[hbm4b:s7+s2] =	stream.linear.scatter [tilespmem:s25], [sflag:$0x4], $0xC80, $0x38;
	[tilespmem:$0x1E000] =	vst v63  }
0xe1: {  	s8 =	rddreg [dreg:$0x7];
	s7 =	sadd.s32 s6, s9  }
0xe2: {  	[hbm4b:s7+s2] =	stream.linear.scatter [tilespmem:s4], [sflag:$0x4], $0xC80, $0x38;
	[tilespmem:$0x1E000] =	vst v63  }
0xe3: {  	s9 =	rddreg [dreg:$0x8];
	s7 =	sadd.s32 s6, s8  }
0xe4: {  	[hbm4b:s7+s2] =	stream.linear.scatter [tilespmem:s5], [sflag:$0x4], $0xC80, $0x38;
	[tilespmem:$0x1E000] =	vst v63  }
0xe5: {  	s7 =	sadd.s32 s6, s9  }
0xe6: {  	[hbm4b:s7+s2] =	stream.linear.scatter [tilespmem:s22], [sflag:$0x4], $0xC80, $0x38;
	[tilespmem:$0x1E000] =	vst v63  }
0xe7: {  	s8 =	sadd.s32 s6, s10  }
0xe8: {  	[hbm4b:s8+s2] =	stream.linear.scatter [tilespmem:s24], [sflag:$0x4], $0xC80, $0x38;
	[tilespmem:$0x1E000] =	vst v63  }
0xe9: {  	s9 =	sadd.s32 s6, s11  }
0xea: {  	[hbm4b:s9+s2] =	stream.linear.scatter [tilespmem:s26], [sflag:$0x4], $0xC80, $0x38;
	[tilespmem:$0x1E000] =	vst v63  }
.Ltmp2:
0xeb: {  	_ = 	snop;
	(pc) =	sbr.rel @p0 .LBB2_4-.Ltmp2, $4  }
0xec: {  	s8 =	sadd.s32 s6, s12  }
0xed: {  	[hbm4b:s8+s2] =	stream.linear.scatter [tilespmem:s29], [sflag:$0x4], $0xC80, $0x38;
	[tilespmem:$0x1E000] =	vst v63  }
0xee: {  	s9 =	sadd.s32 s6, s13  }
0xef: {  	[hbm4b:s9+s2] =	stream.linear.scatter [tilespmem:s31], [sflag:$0x4], $0xC80, $0x38;
	[tilespmem:$0x1E000] =	vst v63  }
0xf0: {  	_ =	swait.ge [sflag:s0], $0xC80  }
0xf1: {  	[sflag:s0] =	ssyncset.done $0x0  }
0xf2: {  	[sflag:s0] =	ssyncadd.s32 $0xFFFFF380  }
0xf3: {  	_ =	swait.ge [sflag:s0], $0xC80  }
0xf4: {  	[sflag:s0] =	ssyncset.done $0x0  }
0xf5: {  	[sflag:s0] =	ssyncadd.s32 $0xFFFFF380  }
0xf6: {  	_ =	swait.ge [sflag:s0], $0xC80  }
0xf7: {  	[sflag:s0] =	ssyncset.done $0x0  }
0xf8: {  	[sflag:s0] =	ssyncadd.s32 $0xFFFFF380  }
0xf9: {  	_ =	swait.ge [sflag:s0], $0xC80  }
0xfa: {  	[sflag:s0] =	ssyncset.done $0x0  }
0xfb: {  	[sflag:s0] =	ssyncadd.s32 $0xFFFFF380  }
0xfc: {  	_ =	swait.ge [sflag:s0], $0xC80  }
0xfd: {  	[sflag:s0] =	ssyncset.done $0x0  }
0xfe: {  	[sflag:s0] =	ssyncadd.s32 $0xFFFFF380  }
0xff: {  	_ =	swait.ge [sflag:s0], $0xC80  }
0x100: {  	[sflag:s0] =	ssyncset.done $0x0  }
0x101: {  	[sflag:s0] =	ssyncadd.s32 $0xFFFFF380  }
0x102: {  	_ =	swait.ge [sflag:s0], $0xC80  }
0x103: {  	[sflag:s0] =	ssyncset.done $0x0  }
0x104: {  	[sflag:s0] =	ssyncadd.s32 $0xFFFFF380  }
0x105: {  	_ =	swait.ge [sflag:s0], $0xC80  }
0x106: {  	[sflag:s0] =	ssyncset.done $0x0  }
0x107: {  	s7 =	sadd.s32 $0x400, s30;
	[sflag:s0] =	ssyncadd.s32 $0xFFFFF380  }
0x108: {  	[tilespmem:s25], [sflag:$0x2] =	stream.indirect.gather [hbm4b:s3+s23], $0x40, s7, s23, $0xb8;
	[tilespmem:$0x1E000] =	vst v63  }
0x109: {  	s9 =	sadd.s32 $0x480, s30  }
0x10a: {  	[tilespmem:s4], [sflag:$0x2] =	stream.indirect.gather [hbm4b:s3+s23], $0x40, s9, s23, $0xb8;
	[tilespmem:$0x1E000] =	vst v63  }
0x10b: {  	s8 =	sadd.s32 $0x500, s30  }
0x10c: {  	[tilespmem:s5], [sflag:$0x2] =	stream.indirect.gather [hbm4b:s3+s23], $0x40, s8, s23, $0xb8;
	[tilespmem:$0x1E000] =	vst v63  }
0x10d: {  	s9 =	sadd.s32 $0x580, s30  }
0x10e: {  	[tilespmem:s22], [sflag:$0x2] =	stream.indirect.gather [hbm4b:s3+s23], $0x40, s9, s23, $0xb8;
	[tilespmem:$0x1E000] =	vst v63  }
0x10f: {  	s8 =	sadd.s32 $0x600, s30  }
0x110: {  	[tilespmem:s24], [sflag:$0x2] =	stream.indirect.gather [hbm4b:s3+s23], $0x40, s8, s23, $0xb8;
	[tilespmem:$0x1E000] =	vst v63  }
0x111: {  	s9 =	sadd.s32 $0x680, s30  }
0x112: {  	[tilespmem:s26], [sflag:$0x2] =	stream.indirect.gather [hbm4b:s3+s23], $0x40, s9, s23, $0xb8;
	[tilespmem:$0x1E000] =	vst v63  }
.Ltmp3:
0x113: {  	_ = 	snop;
	(pc) =	sbr.rel .LBB2_2-.Ltmp3, $4  }
0x114: {  	s8 =	sadd.s32 $0x700, s30  }
0x115: {  	[tilespmem:s29], [sflag:$0x2] =	stream.indirect.gather [hbm4b:s3+s23], $0x40, s8, s23, $0xb8;
	[tilespmem:$0x1E000] =	vst v63  }
0x116: {  	s6 =	sadd.s32 $0x1900, s6;
	s9 =	sadd.s32 $0x780, s30;
	s30 =	sadd.s32 $0x800, s30  }
0x117: {  	[tilespmem:s31], [sflag:$0x2] =	stream.indirect.gather [hbm4b:s3+s23], $0x40, s9, s23, $0xb8;
	[tilespmem:$0x1E000] =	vst v63  }
.LBB2_5:
0x118: {  	_ =	sfence.sel $0x180000  }
0x119: {  	[bflag:$0x0] =	sbarrier.arrive $0xFFFF  }
0x11a: {  	_ =	strace $0x90000047  }
0x11b: {  	s0 =	stileid.u32;
	[bflag:$0x2] =	sbarrier.arrive $0xFFFF  }
0x11c: {  	p0 =	sne.s32 s0, $0x0;
	s0 =	rddreg [dreg:$0x2]  }
0x11d: {  	s0 =	sadd.s32 @!p0 $0x100000, s0  }
0x11e: {  	[sflag:s0] =	ssyncadd.tile.s32 @!p0 $0x1;
	_ =	shalt  }
.Lfunc_end2:
_tile_overlayer_lowered:
.L_overlay_start_2:
0x11f: {  	(tag) =	ssettag $0x2  }
0x120: {  	s0 =	rddreg [dreg:$0x0];
	s2 =	stileid.u32  }
0x121: {  	s1 =	rddreg [dreg:$0x1];
	p0 =	sne.s32 s2, $0x0  }
0x122: {  	s3 =	rddreg [dreg:$0x2];
	[bflag:$0x3] =	sbarrier.arrive $0xFFFF;
	s2 =	simm.s32 @!p0 $0x1C05  }
0x123: {  	[timem:s3], [sflag:s2] =	dma.local @!p0 [hbm:s0], s1  }
0x124: {  	s0 =	simm.s32 @!p0 $0x5  }
0x125: {  	_ =	swait.ge @!p0 [sflag:s0], s1  }
0x126: {  	s1 =	ssub.s32 @!p0 $0x0, s1;
	[sflag:s0] =	ssyncset.done @!p0 $0x0  }
0x127: {  	[sflag:s0] =	ssyncadd.s32 @!p0 s1  }
0x128: {  	[bflag:$0x3] =	sbarrier.arrive $0xFFFF  }
0x129: {  	_ =	shalt  }

// kernel: sparse-core-data-format-call.cloned.1.call-start
scs
called_computation_lowered:
.L_overlay_start_0:
0x0: {  	s2 =	sld [smem:$0x3FD9]  }
0x1: {  	s3 =	sld [smem:$0x3FFE];
	_ =	sdelay $0x1  }
0x2: {  	s1 =	srdreg.scid  }
0x3: {  	s0 =	sand.u32 $0x1, s1  }
0x4: {  	s18 =	sshll.u32 s0, $0xA;
	s2 =	sadd.s32 s3, s2  }
0x5: {  	s2 =	sadd.s32 s2, s18  }
0x6: {  	[smem:$0x3FC6] =	sst s2  }
0x7: {  	_ = 	snop  }
0x8: {  	s2 =	sld [smem:$0x3FD0];
	(tm) =	ssettm $0x1  }
0x9: {  	s19 =	sld [smem:$0x3FFB];
	_ =	sdelay $0x3  }
0xa: {  	_ =	strace s19  }
0xb: {  	s3 =	sld [smem:$0x3FFC];
	_ =	sdelay $0x3  }
0xc: {  	_ =	strace s3  }
0xd: {  	s3 =	sld [smem:$0x3FFD];
	_ =	sdelay $0x3  }
0xe: {  	_ =	strace s3  }
0xf: {  	_ =	strace $0x8FFFFFFF  }
0x10: {  	s20 =	sld [smem:$0x3FDB];
	_ =	sdelay $0x1  }
0x11: {  	s4 =	simm.s32 $_scs_section_size  }
0x12: {  	s5 =	simm.s32 $_size__tile_overlayer_lowered;
	s6 =	simm.s32 $_tile_overlayer_lowered  }
0x13: {  	s23 =	simm.s32 $0x1BFF;
	s22 =	sshll.u32 s6, $0x1;
	s3 =	sadd.s32 s4, s20  }
0x14: {  	s7 =	simm.s32 $0x0;
	s21 =	sshll.u32 s5, $0x1;
	s5 =	sadd.s32 s22, s3  }
0x15: {  	[timem:s7], [sflag:s23] =	dma.local [hbm:s5], s21  }
0x16: {  	_ =	swait.ge [sflag:s23], s21  }
0x17: {  	s4 =	ssub.s32 $0x0, s21;
	[sflag:s23] =	ssyncset.done $0x0  }
0x18: {  	[sflag:s23] =	ssyncadd.s32 s4;
	_ =	sdelay $0x1  }
0x19: {  	s24 =	simm.s32 $0x1B8B  }
0x1a: {  	_ =	swait.ge [sflag:s24], $0x1  }
0x1b: {  	[sflag:s24] =	ssyncset.done $0x0  }
0x1c: {  	s26 =	simm.s32 $0x1B8E;
	s25 =	sld [smem:$0x3FFE];
	[sflag:s24] =	ssyncadd.s32 $0xFFFFFFFF  }
0x1d: {  	s27 =	simm.s32 $execute0_lowered;
	[smem:$0x3FD2] =	sst s26  }
0x1e: {  	s5 =	sshll.u32 s27, $0x1;
	_ =	strace $0x80000049;
	[dreg:$0x1] =	wrdreg $0xFFFFFFFF  }
0x1f: {  	s28 =	simm.s32 $_size_execute0_lowered;
	s3 =	sadd.s32 s3, s5;
	[dreg:$0x0] =	wrdreg $0x0  }
0x20: {  	s5 =	sshll.u32 s28, $0x1;
	[dreg:$0x2] =	wrdreg s3  }
0x21: {  	[dreg:$0x3] =	wrdreg s5  }
0x22: {  	[dreg:$0x4] =	wrdreg $0xC0  }
0x23: {  	_ =	task [dreg:s7], $0x5FFFF  }
0x24: {  	[dreg:$0x1] =	wrdreg $0xFFFFFFFF  }
0x25: {  	[dreg:$0x0] =	wrdreg $0x60  }
0x26: {  	[dreg:$0x2] =	wrdreg s25  }
0x27: {  	[dreg:$0x3] =	wrdreg s2  }
0x28: {  	[dreg:$0x4] =	wrdreg $0x9  }
0x29: {  	_ =	task.clear_ibuf [dreg:s7], $0x5FFFF;
	_ =	strace $0x90000049  }
0x2a: {  	s29 =	simm.s32 $0x9;
	_ =	strace $0x8000004B  }
0x2b: {  	_ =	swait.ge [sflag:s29], $0x1  }
0x2c: {  	[sflag:s29] =	ssyncadd.s32 $0xFFFFFFFF  }
0x2d: {  	_ =	strace $0x9000004B  }
0x2e: {  	_ =	sfence  }
0x2f: {  	s30 =	sld [smem:$0x0];
	_ =	sdelay $0x2  }
0x30: {  	s31 =	sshll.u32 s1, $0xD;
	s1 =	sshrl.u32 s1, $0x2  }
0x31: {  	s3 =	sand.u32 $0x4000, s31;
	s1 =	sadd.s32 s1, s30  }
0x32: {  	s0 =	sor.u32 s3, s0;
	s1 =	sshll.u32 s1, $0x11  }
0x33: {  	s0 =	sor.u32 s1, s0  }
0x34: {  	s0 =	sadd.s32 $0x8F2B, s0  }
0x35: {  	[sflag:s0] =	ssyncadd.remote.s32 $0x1  }
0x36: {  	_ =	sfence.sel $0xFFFF  }
0x37: {  	[dreg:$0x0] =	wrdreg $0xFFFFFFFF;
	(pc) =	sbr.abs _section_cstart, $3  }
0x38: {  	[dreg:$0x1] =	wrdreg $0xFFFFFFFF  }
0x39: {  	_ =	task.clear_ibuf [dreg:s7], $0x2FFFF;
	_ =	strace $0x9FFFFFFF  }
0x3a: {  	(tm) =	ssettm $0x7FFFFFFF  }
0x3b: {  	_ =	shalt  }
tec
execute0_lowered:
.L_overlay_start_1:
0x0: {  	(tag) =	ssettag $0x1  }
0x1: {  	s0 =	srdreg.scid  }
0x2: {  	s1 =	sshll.u32 s0, $0x4  }
0x3: {  	s0 =	stileid.u32;
	s1 =	sand.u32 $0x10, s1  }
0x4: {  	s1 =	sor.u32 s0, s1  }
0x5: {  	s6 =	rddreg [dreg:$0x0];
	s4 =	simm.s32 $0x1;
	s2 =	sshll.u32 s1, $0x7  }
0x6: {  	s7 =	simm.s32 $0x2;
	s12 =	simm.s32 $0x0;
	s1 =	ssub.s32 $0x4000, s2  }
0x7: {  	s8 =	simm.s32 $0x20000;
	s13 =	simm.s32 $0x0;
	s3 =	sand.u32 $0xF80, s1  }
0x8: {  	s9 =	simm.s32 $0x0;
	s5 =	sshrl.u32 s1, $0xC;
	p0 =	sne.s32 s3, $0x0  }
.Ltmp0:
0x9: {  	s1 =	rddreg [dreg:$0x2];
	s4 =	simm.s32 @!p0 $0x0;
	(pc) =	sbr.rel .LBB1_1-.Ltmp0, $4  }
0xa: {  	s11 =	simm.s32 $0x0;
	s3 =	rddreg [dreg:$0x1];
	s5 =	sadd.s32 s4, s5  }
0xb: {  	_ =	strace $0x8000004A;
	s4 =	simm.s32 $0x1;
	s5 =	smul.u32 $0x32, s5  }
0xc: {  	s6 =	sadd.s32 $0xA00, s6;
	s10 =	smov.u32 s2;
	[sflag:s4] =	ssyncpa.u1 $0x0  }
0xd: {  	p0 =	por $0x0, $0x0;
	[sflag:s7] =	ssyncpa.u1 $0x0;
	s7 =	sor.u32 $0x1, s5  }
.LBB1_4:
0xe: {  	s16 =	sshll.u32 s13, $0x3;
	s17 =	sand.u32 $0x78, s13  }
0xf: {  	s30 =	sand.u32 $0x1F800, s13;
	s12 =	sshll.u32 s12, $0x11;
	s16 =	sand.u32 $0x3C00, s16  }
0x10: {  	[tilespmem:s15+$0x810 ss:$0x81] =	vst.msk $0xffff, v2;
	s31 =	sand.u32 $0x7, s13;
	s16 =	sor.u32 s17, s16;
	s17 =	sadd.s32 s3, s30  }
0x11: {  	[tilespmem:s15+$0x1020 ss:$0x81] =	vst.msk $0xffff, v0;
	s13 =	sshll.u32 s31, $0x12;
	s12 =	sadd.s32 s12, s17;
	s16 =	sshrl.u32 s16, $0x3  }
0x12: {  	[tilespmem:s15+$0x0 ss:$0x81] =	vst.msk $0xffff, v1;
	s13 =	sor.u32 $0x400, s13;
	s12 =	sadd.s32 s16, s12  }
0x13: {  	[hbm4b:s12+s13] =	stream.strided.scatter [tilespmem:s14], [sflag:$0x2], $0x2000, s8, s13, $0x20;
	[tilespmem:$0x8080] =	vst v63  }
.LBB1_5:
0x14: {  	s14 =	sadd.s32 $0x1, s9  }
0x15: {  	s12 =	sadd.s32 $0x1000, s10;
	s16 =	smov.u32 s10;
	p2 =	sgt.s32 s14, $0x31  }
0x16: {  	s16 =	smov.u32 @p2 s12  }
0x17: {  	s14 =	simm.s32 @p2 $0x0;
	p2 =	sgt.s32 s16, $0x3FFF  }
0x18: {  	s16 =	smov.u32 @p2 s2;
	p2 =	sne.s32 s11, s7  }
.Ltmp1:
0x19: {  	p1 =	slt.u32 s11, $0x2;
	(pc) =	sbr.rel @!p2 .LBB1_6-.Ltmp1, $4  }
0x1a: {  	s15 =	simm.s32 @!p1 $0x2  }
0x1b: {  	s13 =	smov.u32 s10;
	p0 =	por !p0, !p0;
	_ =	swait.ge @!p1 [sflag:s15], $0x2000  }
0x1c: {  	s12 =	smov.u32 s9;
	[sflag:s15] =	ssyncset.done @!p1 $0x0;
	s9 =	smov.u32 s14  }
0x1d: {  	s11 =	sadd.s32 $0x1, s11;
	[sflag:s15] =	ssyncadd.s32 @!p1 $0xFFFFE000;
	s10 =	smov.u32 s16  }
.LBB1_1:
0x1e: {  	p1 =	sge.u32 s11, s5  }
0x1f: {  	s14 =	sand.u32 @!p1 $0x1FFFFFF, s9  }
0x20: {  	s15 =	smulhi.u32 @!p1 $0x4924925, s14;
	_ =	sdelay $0x1  }
0x21: {  	s15 =	smul.u32 @!p1 $0x38, s15  }
0x22: {  	s16 =	sxor.u32 @!p1 $0xFFFFFFFF, s11;
	s17 =	smul.u32 @!p1 $0x380, s10  }
0x23: {  	s31 =	sadd.s32 $0xFFFFFFFF, s11;
	s16 =	sshll.u32 @!p1 s16, $0xD;
	s14 =	ssub.s32 @!p1 s14, s15  }
0x24: {  	s15 =	sand.u32 @!p1 $0x2000, s16;
	s16 =	sadd.s32 @!p1 s6, s17;
	s14 =	sshll.u32 @!p1 s14, $0x4  }
0x25: {  	s17 =	simm.s32 @!p1 $0x1C00;
	s14 =	sadd.s32 @!p1 s14, s16;
	s16 =	simm.s32 @!p1 $0x40  }
0x26: {  	[tilespmem:s15], [sflag:$0x1] =	stream.strided.gather @!p1 [hbm4b:s14+s16], $0x2000, s17, s16, $0x38;
	[tilespmem:$0x8080] =	vst v63  }
0x27: {  	p1 =	sge.u32 s31, s5  }
.Ltmp2:
0x28: {  	_ = 	snop;
	(pc) =	sbr.rel @p1 .LBB1_5-.Ltmp2, $1  }
0x29: {  	_ =	sdelay $0x3  }
0x2a: {  	s14 =	simm.s32 $0x1  }
0x2b: {  	_ =	swait.ge [sflag:s4], $0x2000;
	s14 =	simm.s32 @!p0 $0x0  }
0x2c: {  	[sflag:s4] =	ssyncset.done $0x0;
	s15 =	sshll.u32 s14, $0xD  }
0x2d: {  	[sflag:s4] =	ssyncadd.s32 $0xFFFFE000;
	s18 =	sor.u32 $0x20, s15  }
0x2e: {  	s14 =	smul.u32 $0x8100, s14;
	v3 =	vld [tilespmem:s18+$0x10]  }
0x2f: {  	s30 =	sand.u32 $0x1, s11;
	v2 =	vld [tilespmem:s18+$0xFFFFFFF0]  }
0x30: {  	s15 =	smul.u32 $0x8100, s30;
	s14 =	sshrl.u32 s14, $0x2;
	v0 =	vld [tilespmem:s18+$0x0]  }
0x31: {  	v1 =	vld [tilespmem:s18+$0xFFFFFFE0];
	s16 =	sor.u32 $0x4000, s14  }
0x32: {  	s31 =	sshrl.u32 s15, $0x2;
	s15 =	sadd.s32 $0x0, s16  }
0x33: {  	s17 =	simm.s32 $0x4;
	s18 =	sadd.s32 $0x40, s18;
	s14 =	sor.u32 $0x4000, s31;
	[tilespmem:s15+$0x1830 ss:$0x81] =	vst.msk $0xffff, v3  }
.LBB1_3:
0x34: {  	v3 =	vld [tilespmem:s18+$0x10];
	p1 =	sne.s32 s17, $0x1FC;
	[tilespmem:s15+$0x810 ss:$0x81] =	vst.msk $0xffff, v2;
	s19 =	smov.u32 s17;
	s17 =	sadd.s32 $0x4, s17  }
.Ltmp3:
0x35: {  	v2 =	vld [tilespmem:s18+$0xFFFFFFF0];
	[tilespmem:s15+$0x1020 ss:$0x81] =	vst.msk $0xffff, v0;
	(pc) =	sbr.rel @p1 .LBB1_3-.Ltmp3, $4  }
0x36: {  	v0 =	vld [tilespmem:s18+$0x0];
	[tilespmem:s15+$0x0 ss:$0x81] =	vst.msk $0xffff, v1  }
0x37: {  	s15 =	sshra.s32 s19, $0x2;
	v1 =	vld [tilespmem:s18+$0xFFFFFFE0]  }
0x38: {  	s15 =	sadd.s32 s15, s16  }
0x39: {  	s18 =	sadd.s32 $0x40, s18;
	[tilespmem:s15+$0x1830 ss:$0x81] =	vst.msk $0xffff, v3  }
.Ltmp4:
0x3a: {  	_ = 	snop;
	(pc) =	sbr.rel .LBB1_4-.Ltmp4, $1  }
0x3b: {  	_ =	sdelay $0x3  }
.LBB1_6:
0x3c: {  	_ =	sfence.sel $0x180000  }
0x3d: {  	s2 =	simm.s32 $0x1;
	[bflag:$0x0] =	sbarrier.arrive $0xFFFF  }
0x3e: {  	s31 =	simm.s32 $0x2;
	[sflag:s2] =	ssyncpa.u1 $0x1  }
0x3f: {  	[sflag:s31] =	ssyncpa.u1 $0x1  }
0x40: {  	p0 =	sne.s32 s0, $0x0;
	_ =	strace $0x9000004A  }
0x41: {  	s0 =	sadd.s32 @!p0 $0x100000, s1;
	[bflag:$0x2] =	sbarrier.arrive $0xFFFF  }
0x42: {  	[sflag:s0] =	ssyncadd.tile.s32 @!p0 $0x1;
	_ =	shalt  }
.Lfunc_end1:
_tile_overlayer_lowered:
.L_overlay_start_2:
0x43: {  	(tag) =	ssettag $0x2  }
0x44: {  	s0 =	rddreg [dreg:$0x0];
	s2 =	stileid.u32  }
0x45: {  	s1 =	rddreg [dreg:$0x1];
	p0 =	sne.s32 s2, $0x0  }
0x46: {  	s3 =	rddreg [dreg:$0x2];
	[bflag:$0x3] =	sbarrier.arrive $0xFFFF;
	s2 =	simm.s32 @!p0 $0x1C01  }
0x47: {  	[timem:s3], [sflag:s2] =	dma.local @!p0 [hbm:s0], s1  }
0x48: {  	s0 =	simm.s32 @!p0 $0x1  }
0x49: {  	_ =	swait.ge @!p0 [sflag:s0], s1  }
0x4a: {  	s1 =	ssub.s32 @!p0 $0x0, s1;
	[sflag:s0] =	ssyncset.done @!p0 $0x0  }
0x4b: {  	[sflag:s0] =	ssyncadd.s32 @!p0 s1  }
0x4c: {  	[bflag:$0x3] =	sbarrier.arrive $0xFFFF  }
0x4d: {  	_ =	shalt  }

</sc_bundles>
